<compile_context>
chip_gen: v7x
topology: tpu7x:2x2x1
jax: 0.10.2.dev20260603
libtpu: 0.0.44.dev20260713+nightly
codegen_flags: <defaults>
</compile_context>

<pallas_src>
import functools

import jax
import jax.numpy as jnp
from jax import lax
from jax.experimental import pallas as pl
from jax.experimental.pallas import tpu as pltpu
from jax.experimental.pallas import tpu_sc as plsc

_NUM_CORES = 2
_NUM_SUBCORES = 16
_NUM_WORKERS = _NUM_CORES * _NUM_SUBCORES
_LANES = 16


def _make_gather(embed, batch):
    b_per_w = batch // _NUM_WORKERS
    n_tile = 368
    n_hbm = b_per_w - n_tile
    mesh = plsc.VectorSubcoreMesh(core_axis_name="c", subcore_axis_name="s")

    @functools.partial(
        pl.kernel,
        mesh=mesh,
        out_type=jax.ShapeDtypeStruct((batch, embed), jnp.float32),
        scratch_types=[
            pltpu.VMEM((b_per_w,), jnp.int32),
            pltpu.VMEM((b_per_w, embed), jnp.float32),
            pltpu.SemaphoreType.DMA,
            pltpu.SemaphoreType.DMA,
            pltpu.SemaphoreType.DMA,
            pltpu.SemaphoreType.DMA,
        ],
    )
    def gather_kernel(table_hbm, idx_hbm, out_hbm, ids_v, out_v,
                      sem0, sem1, sem2, sem3):
        wid = lax.axis_index("s") * _NUM_CORES + lax.axis_index("c")
        base = wid * b_per_w
        pltpu.sync_copy(idx_hbm.at[pl.ds(base, b_per_w)], ids_v)

        @plsc.parallel_loop(0, n_tile // _LANES, 1, unroll=2)
        def row_body_a(g):
            ids16 = ids_v[pl.ds(g * _LANES, _LANES)]
            for k in range(_LANES):
                pltpu.async_copy(
                    table_hbm.at[ids16[k]],
                    out_v.at[g * _LANES + k],
                    sem0,
                )

        @plsc.parallel_loop(n_tile // _LANES, b_per_w // _LANES, 1, unroll=2)
        def row_body_b(g):
            ids16 = ids_v[pl.ds(g * _LANES, _LANES)]
            for k in range(_LANES):
                pltpu.async_copy(
                    table_hbm.at[ids16[k]],
                    out_hbm.at[base + g * _LANES + k],
                    sem1,
                )

        pltpu.make_async_copy(
            table_hbm.at[pl.ds(0, n_tile)],
            out_v.at[pl.ds(0, n_tile)],
            sem0,
        ).wait()
        pltpu.sync_copy(
            out_v.at[pl.ds(0, n_tile)], out_hbm.at[pl.ds(base, n_tile)]
        )
        pltpu.make_async_copy(
            table_hbm.at[pl.ds(0, n_hbm)],
            out_hbm.at[pl.ds(base + n_tile, n_hbm)],
            sem1,
        ).wait()

    return gather_kernel


def kernel(node_embs, node_ids):
    _, embed = node_embs.shape
    (batch,) = node_ids.shape
    gather = _make_gather(embed, batch)
    return gather(node_embs, node_ids.astype(jnp.int32))

# --- scband reference (transcript-rebuilt; emitter-appended) ---
"""Pipeline reference for scband-graph-embedding-layer-30090540876230 (READ-ONLY COPY).

The authoritative reference and input builder live on the scoring server;
editing this copy changes nothing except your own understanding.
"""

import jax, jax.numpy as jnp
import numpy as np

NUM_NODES = 1000000
EMBED_SIZE = 64
BATCH = 16384

def setup_inputs(seed: int = 0) -> dict:
    key = jax.random.key(seed)
    k_tab, k_idx = jax.random.split(key)
    # Parameter: node embedding table, normal init scaled by 0.001 (matches torch init)
    node_embs = jax.random.normal(k_tab, (NUM_NODES, EMBED_SIZE), dtype=jnp.float32) * 0.001
    node_ids = jax.random.randint(k_idx, (BATCH,), 0, NUM_NODES, dtype=jnp.int64)
    return {"node_embs": node_embs, "node_ids": node_ids}

def reference(node_embs, node_ids):
    # backend == 'tensor': plain row gather from the parameter table
    node_ids = node_ids.astype(jnp.int64)
    return jnp.take(node_embs, node_ids, axis=0)

if __name__ == "__main__":
    import jax
    _d = setup_inputs()
    print(jax.jit(kernel)(*tuple(_d.values())))

</pallas_src>

<mosaic_0001>
#map = affine_map<(d0, d1) -> (0, 0)>
#map1 = affine_map<(d0, d1) -> (0)>
module attributes {stable_mosaic.version = 14 : i64} {
  func.func @gather_kernel(%arg0: i32, %arg1: i32, %arg2: memref<1000000x64xf32, #tpu.memory_space<hbm>>, %arg3: memref<16384xi32, #tpu.memory_space<hbm>>, %arg4: memref<16384x64xf32, #tpu.memory_space<hbm>>, %arg5: memref<512xi32, #tpu.memory_space<vmem>>, %arg6: memref<512x64xf32, #tpu.memory_space<vmem>>, %arg7: memref<!tpu.dma_semaphore, #tpu.memory_space<semaphore_mem>>, %arg8: memref<!tpu.dma_semaphore, #tpu.memory_space<semaphore_mem>>, %arg9: memref<!tpu.dma_semaphore, #tpu.memory_space<semaphore_mem>>, %arg10: memref<!tpu.dma_semaphore, #tpu.memory_space<semaphore_mem>>) attributes {dimension_semantics = [#tpu.dimension_semantics<core_parallel>, #tpu.dimension_semantics<subcore_parallel>], iteration_bounds = array<i64: 2, 16>, scalar_prefetch = 0 : i64, scratch_operands = 6 : i64, tpu.core_type = #tpu.core_type<sc_vector_subcore>, window_params = [{transform_indices = #map}, {transform_indices = #map1}, {transform_indices = #map}]} {
    %mul3A = arith.constant 2 : i32
    %mul3A_0 = arith.muli %arg1, %mul3A : i32
    %add3A = arith.addi %mul3A_0, %arg0 : i32
    %mul3A_1 = arith.constant 512 : i32
    %mul3A_2 = arith.muli %add3A, %mul3A_1 : i32
    "tpu.region"() ({
      %run_scoped3A = tpu.sem_alloc : memref<!tpu.dma_semaphore, #tpu.memory_space<semaphore_mem>>
      %dma_start3A = tpu.memref_slice %arg3[%mul3A_2] : memref<16384xi32, #tpu.memory_space<hbm>> -> memref<512xi32, #tpu.memory_space<hbm>>
      %dma_start3A_26 = tpu.memref_slice %arg3[%mul3A_2] : memref<16384xi32, #tpu.memory_space<hbm>> -> memref<512xi32, #tpu.memory_space<hbm>>
      tpu.enqueue_dma source(%dma_start3A_26 : memref<512xi32, #tpu.memory_space<hbm>>) target(%arg5 : memref<512xi32, #tpu.memory_space<vmem>>) target_semaphore(%run_scoped3A : memref<!tpu.dma_semaphore, #tpu.memory_space<semaphore_mem>>)
      %dma_wait3A_27 = tpu.memref_slice %arg3[%mul3A_2] : memref<16384xi32, #tpu.memory_space<hbm>> -> memref<512xi32, #tpu.memory_space<hbm>>
      %dma_wait3A_28 = tpu.memref_slice %arg3[%mul3A_2] : memref<16384xi32, #tpu.memory_space<hbm>> -> memref<512xi32, #tpu.memory_space<hbm>>
      tpu.wait_dma2 semaphore(%run_scoped3A : memref<!tpu.dma_semaphore, #tpu.memory_space<semaphore_mem>>) src(%dma_wait3A_28 : memref<512xi32, #tpu.memory_space<hbm>>) dst(%arg5 : memref<512xi32, #tpu.memory_space<vmem>>)
      tpu.yield
    }) : () -> ()
    %parallel_loop3A = arith.constant 0 : i32
    %parallel_loop3A_3 = arith.constant 23 : i32
    %parallel_loop3A_4 = arith.constant 1 : i32
    scf.for %parallel_loop3A_26 = %parallel_loop3A to %parallel_loop3A_3 step %parallel_loop3A_4  : i32 {
      %parallel_loop3A_27 = arith.constant 16 : i32
      %parallel_loop3A_28 = arith.muli %parallel_loop3A_26, %parallel_loop3A_27 : i32
      %parallel_loop3A_29 = arith.index_cast %parallel_loop3A_28 : i32 to index
      %parallel_loop3A_30 = tpu.vector_load %arg5[%parallel_loop3A_29] {strides = array<i32>} : memref<512xi32, #tpu.memory_space<vmem>>, vector<16xi32>,
      %parallel_loop3A_31 = vector.shape_cast %parallel_loop3A_30 : vector<16xi32> to vector<16xi32>
      %parallel_loop3A_32 = vector.extract_strided_slice %parallel_loop3A_31 {offsets = [0], sizes = [1], strides = [1]} : vector<16xi32> to vector<1xi32>
      %parallel_loop3A_33 = vector.extract %parallel_loop3A_32[0] : i32 from vector<1xi32>
      %parallel_loop3A_34 = arith.constant 16 : i32
      %parallel_loop3A_35 = arith.muli %parallel_loop3A_26, %parallel_loop3A_34 : i32
      %parallel_loop3A_36 = arith.constant 0 : i32
      %parallel_loop3A_37 = arith.addi %parallel_loop3A_35, %parallel_loop3A_36 : i32
      %parallel_loop3A_38 = arith.constant 0 : i32
      %parallel_loop3A_39 = tpu.memref_slice %arg6[%parallel_loop3A_37, %parallel_loop3A_38] : memref<512x64xf32, #tpu.memory_space<vmem>> -> memref<1x64xf32, #tpu.memory_space<vmem>>
      %parallel_loop3A_40 = tpu.memref_squeeze %parallel_loop3A_39 : memref<1x64xf32, #tpu.memory_space<vmem>> -> memref<64xf32, #tpu.memory_space<vmem>>
      %parallel_loop3A_41 = arith.constant 0 : i32
      %parallel_loop3A_42 = tpu.memref_slice %arg2[%parallel_loop3A_33, %parallel_loop3A_41] : memref<1000000x64xf32, #tpu.memory_space<hbm>> -> memref<1x64xf32, #tpu.memory_space<hbm>>
      %parallel_loop3A_43 = tpu.memref_squeeze %parallel_loop3A_42 : memref<1x64xf32, #tpu.memory_space<hbm>> -> memref<64xf32, #tpu.memory_space<hbm>>
      %parallel_loop3A_44 = arith.constant 0 : i32
      %parallel_loop3A_45 = tpu.memref_slice %arg6[%parallel_loop3A_37, %parallel_loop3A_44] : memref<512x64xf32, #tpu.memory_space<vmem>> -> memref<1x64xf32, #tpu.memory_space<vmem>>
      %parallel_loop3A_46 = tpu.memref_squeeze %parallel_loop3A_45 : memref<1x64xf32, #tpu.memory_space<vmem>> -> memref<64xf32, #tpu.memory_space<vmem>>
      %parallel_loop3A_47 = arith.constant 0 : i32
      %parallel_loop3A_48 = tpu.memref_slice %arg2[%parallel_loop3A_33, %parallel_loop3A_47] : memref<1000000x64xf32, #tpu.memory_space<hbm>> -> memref<1x64xf32, #tpu.memory_space<hbm>>
      %parallel_loop3A_49 = tpu.memref_squeeze %parallel_loop3A_48 : memref<1x64xf32, #tpu.memory_space<hbm>> -> memref<64xf32, #tpu.memory_space<hbm>>
      tpu.enqueue_dma source(%parallel_loop3A_49 : memref<64xf32, #tpu.memory_space<hbm>>) target(%parallel_loop3A_46 : memref<64xf32, #tpu.memory_space<vmem>>) target_semaphore(%arg7 : memref<!tpu.dma_semaphore, #tpu.memory_space<semaphore_mem>>)
      %parallel_loop3A_50 = vector.extract_strided_slice %parallel_loop3A_31 {offsets = [1], sizes = [1], strides = [1]} : vector<16xi32> to vector<1xi32>
      %parallel_loop3A_51 = vector.extract %parallel_loop3A_50[0] : i32 from vector<1xi32>
      %parallel_loop3A_52 = arith.constant 16 : i32
      %parallel_loop3A_53 = arith.muli %parallel_loop3A_26, %parallel_loop3A_52 : i32
      %parallel_loop3A_54 = arith.constant 1 : i32
      %parallel_loop3A_55 = arith.addi %parallel_loop3A_53, %parallel_loop3A_54 : i32
      %parallel_loop3A_56 = arith.constant 0 : i32
      %parallel_loop3A_57 = tpu.memref_slice %arg6[%parallel_loop3A_55, %parallel_loop3A_56] : memref<512x64xf32, #tpu.memory_space<vmem>> -> memref<1x64xf32, #tpu.memory_space<vmem>>
      %parallel_loop3A_58 = tpu.memref_squeeze %parallel_loop3A_57 : memref<1x64xf32, #tpu.memory_space<vmem>> -> memref<64xf32, #tpu.memory_space<vmem>>
      %parallel_loop3A_59 = arith.constant 0 : i32
      %parallel_loop3A_60 = tpu.memref_slice %arg2[%parallel_loop3A_51, %parallel_loop3A_59] : memref<1000000x64xf32, #tpu.memory_space<hbm>> -> memref<1x64xf32, #tpu.memory_space<hbm>>
      %parallel_loop3A_61 = tpu.memref_squeeze %parallel_loop3A_60 : memref<1x64xf32, #tpu.memory_space<hbm>> -> memref<64xf32, #tpu.memory_space<hbm>>
      %parallel_loop3A_62 = arith.constant 0 : i32
      %parallel_loop3A_63 = tpu.memref_slice %arg6[%parallel_loop3A_55, %parallel_loop3A_62] : memref<512x64xf32, #tpu.memory_space<vmem>> -> memref<1x64xf32, #tpu.memory_space<vmem>>
      %parallel_loop3A_64 = tpu.memref_squeeze %parallel_loop3A_63 : memref<1x64xf32, #tpu.memory_space<vmem>> -> memref<64xf32, #tpu.memory_space<vmem>>
      %parallel_loop3A_65 = arith.constant 0 : i32
      %parallel_loop3A_66 = tpu.memref_slice %arg2[%parallel_loop3A_51, %parallel_loop3A_65] : memref<1000000x64xf32, #tpu.memory_space<hbm>> -> memref<1x64xf32, #tpu.memory_space<hbm>>
      %parallel_loop3A_67 = tpu.memref_squeeze %parallel_loop3A_66 : memref<1x64xf32, #tpu.memory_space<hbm>> -> memref<64xf32, #tpu.memory_space<hbm>>
      tpu.enqueue_dma source(%parallel_loop3A_67 : memref<64xf32, #tpu.memory_space<hbm>>) target(%parallel_loop3A_64 : memref<64xf32, #tpu.memory_space<vmem>>) target_semaphore(%arg7 : memref<!tpu.dma_semaphore, #tpu.memory_space<semaphore_mem>>)
      %parallel_loop3A_68 = vector.extract_strided_slice %parallel_loop3A_31 {offsets = [2], sizes = [1], strides = [1]} : vector<16xi32> to vector<1xi32>
      %parallel_loop3A_69 = vector.extract %parallel_loop3A_68[0] : i32 from vector<1xi32>
      %parallel_loop3A_70 = arith.constant 16 : i32
      %parallel_loop3A_71 = arith.muli %parallel_loop3A_26, %parallel_loop3A_70 : i32
      %parallel_loop3A_72 = arith.constant 2 : i32
      %parallel_loop3A_73 = arith.addi %parallel_loop3A_71, %parallel_loop3A_72 : i32
      %parallel_loop3A_74 = arith.constant 0 : i32
      %parallel_loop3A_75 = tpu.memref_slice %arg6[%parallel_loop3A_73, %parallel_loop3A_74] : memref<512x64xf32, #tpu.memory_space<vmem>> -> memref<1x64xf32, #tpu.memory_space<vmem>>
      %parallel_loop3A_76 = tpu.memref_squeeze %parallel_loop3A_75 : memref<1x64xf32, #tpu.memory_space<vmem>> -> memref<64xf32, #tpu.memory_space<vmem>>
      %parallel_loop3A_77 = arith.constant 0 : i32
      %parallel_loop3A_78 = tpu.memref_slice %arg2[%parallel_loop3A_69, %parallel_loop3A_77] : memref<1000000x64xf32, #tpu.memory_space<hbm>> -> memref<1x64xf32, #tpu.memory_space<hbm>>
      %parallel_loop3A_79 = tpu.memref_squeeze %parallel_loop3A_78 : memref<1x64xf32, #tpu.memory_space<hbm>> -> memref<64xf32, #tpu.memory_space<hbm>>
      %parallel_loop3A_80 = arith.constant 0 : i32
      %parallel_loop3A_81 = tpu.memref_slice %arg6[%parallel_loop3A_73, %parallel_loop3A_80] : memref<512x64xf32, #tpu.memory_space<vmem>> -> memref<1x64xf32, #tpu.memory_space<vmem>>
      %parallel_loop3A_82 = tpu.memref_squeeze %parallel_loop3A_81 : memref<1x64xf32, #tpu.memory_space<vmem>> -> memref<64xf32, #tpu.memory_space<vmem>>
      %parallel_loop3A_83 = arith.constant 0 : i32
      %parallel_loop3A_84 = tpu.memref_slice %arg2[%parallel_loop3A_69, %parallel_loop3A_83] : memref<1000000x64xf32, #tpu.memory_space<hbm>> -> memref<1x64xf32, #tpu.memory_space<hbm>>
      %parallel_loop3A_85 = tpu.memref_squeeze %parallel_loop3A_84 : memref<1x64xf32, #tpu.memory_space<hbm>> -> memref<64xf32, #tpu.memory_space<hbm>>
      tpu.enqueue_dma source(%parallel_loop3A_85 : memref<64xf32, #tpu.memory_space<hbm>>) target(%parallel_loop3A_82 : memref<64xf32, #tpu.memory_space<vmem>>) target_semaphore(%arg7 : memref<!tpu.dma_semaphore, #tpu.memory_space<semaphore_mem>>)
      %parallel_loop3A_86 = vector.extract_strided_slice %parallel_loop3A_31 {offsets = [3], sizes = [1], strides = [1]} : vector<16xi32> to vector<1xi32>
      %parallel_loop3A_87 = vector.extract %parallel_loop3A_86[0] : i32 from vector<1xi32>
      %parallel_loop3A_88 = arith.constant 16 : i32
      %parallel_loop3A_89 = arith.muli %parallel_loop3A_26, %parallel_loop3A_88 : i32
      %parallel_loop3A_90 = arith.constant 3 : i32
      %parallel_loop3A_91 = arith.addi %parallel_loop3A_89, %parallel_loop3A_90 : i32
      %parallel_loop3A_92 = arith.constant 0 : i32
      %parallel_loop3A_93 = tpu.memref_slice %arg6[%parallel_loop3A_91, %parallel_loop3A_92] : memref<512x64xf32, #tpu.memory_space<vmem>> -> memref<1x64xf32, #tpu.memory_space<vmem>>
      %parallel_loop3A_94 = tpu.memref_squeeze %parallel_loop3A_93 : memref<1x64xf32, #tpu.memory_space<vmem>> -> memref<64xf32, #tpu.memory_space<vmem>>
      %parallel_loop3A_95 = arith.constant 0 : i32
      %parallel_loop3A_96 = tpu.memref_slice %arg2[%parallel_loop3A_87, %parallel_loop3A_95] : memref<1000000x64xf32, #tpu.memory_space<hbm>> -> memref<1x64xf32, #tpu.memory_space<hbm>>
      %parallel_loop3A_97 = tpu.memref_squeeze %parallel_loop3A_96 : memref<1x64xf32, #tpu.memory_space<hbm>> -> memref<64xf32, #tpu.memory_space<hbm>>
      %parallel_loop3A_98 = arith.constant 0 : i32
      %parallel_loop3A_99 = tpu.memref_slice %arg6[%parallel_loop3A_91, %parallel_loop3A_98] : memref<512x64xf32, #tpu.memory_space<vmem>> -> memref<1x64xf32, #tpu.memory_space<vmem>>
      %parallel_loop3A_100 = tpu.memref_squeeze %parallel_loop3A_99 : memref<1x64xf32, #tpu.memory_space<vmem>> -> memref<64xf32, #tpu.memory_space<vmem>>
      %parallel_loop3A_101 = arith.constant 0 : i32
      %parallel_loop3A_102 = tpu.memref_slice %arg2[%parallel_loop3A_87, %parallel_loop3A_101] : memref<1000000x64xf32, #tpu.memory_space<hbm>> -> memref<1x64xf32, #tpu.memory_space<hbm>>
      %parallel_loop3A_103 = tpu.memref_squeeze %parallel_loop3A_102 : memref<1x64xf32, #tpu.memory_space<hbm>> -> memref<64xf32, #tpu.memory_space<hbm>>
      tpu.enqueue_dma source(%parallel_loop3A_103 : memref<64xf32, #tpu.memory_space<hbm>>) target(%parallel_loop3A_100 : memref<64xf32, #tpu.memory_space<vmem>>) target_semaphore(%arg7 : memref<!tpu.dma_semaphore, #tpu.memory_space<semaphore_mem>>)
      %parallel_loop3A_104 = vector.extract_strided_slice %parallel_loop3A_31 {offsets = [4], sizes = [1], strides = [1]} : vector<16xi32> to vector<1xi32>
      %parallel_loop3A_105 = vector.extract %parallel_loop3A_104[0] : i32 from vector<1xi32>
      %parallel_loop3A_106 = arith.constant 16 : i32
      %parallel_loop3A_107 = arith.muli %parallel_loop3A_26, %parallel_loop3A_106 : i32
      %parallel_loop3A_108 = arith.constant 4 : i32
      %parallel_loop3A_109 = arith.addi %parallel_loop3A_107, %parallel_loop3A_108 : i32
      %parallel_loop3A_110 = arith.constant 0 : i32
      %parallel_loop3A_111 = tpu.memref_slice %arg6[%parallel_loop3A_109, %parallel_loop3A_110] : memref<512x64xf32, #tpu.memory_space<vmem>> -> memref<1x64xf32, #tpu.memory_space<vmem>>
      %parallel_loop3A_112 = tpu.memref_squeeze %parallel_loop3A_111 : memref<1x64xf32, #tpu.memory_space<vmem>> -> memref<64xf32, #tpu.memory_space<vmem>>
      %parallel_loop3A_113 = arith.constant 0 : i32
      %parallel_loop3A_114 = tpu.memref_slice %arg2[%parallel_loop3A_105, %parallel_loop3A_113] : memref<1000000x64xf32, #tpu.memory_space<hbm>> -> memref<1x64xf32, #tpu.memory_space<hbm>>
      %parallel_loop3A_115 = tpu.memref_squeeze %parallel_loop3A_114 : memref<1x64xf32, #tpu.memory_space<hbm>> -> memref<64xf32, #tpu.memory_space<hbm>>
      %parallel_loop3A_116 = arith.constant 0 : i32
      %parallel_loop3A_117 = tpu.memref_slice %arg6[%parallel_loop3A_109, %parallel_loop3A_116] : memref<512x64xf32, #tpu.memory_space<vmem>> -> memref<1x64xf32, #tpu.memory_space<vmem>>
      %parallel_loop3A_118 = tpu.memref_squeeze %parallel_loop3A_117 : memref<1x64xf32, #tpu.memory_space<vmem>> -> memref<64xf32, #tpu.memory_space<vmem>>
      %parallel_loop3A_119 = arith.constant 0 : i32
      %parallel_loop3A_120 = tpu.memref_slice %arg2[%parallel_loop3A_105, %parallel_loop3A_119] : memref<1000000x64xf32, #tpu.memory_space<hbm>> -> memref<1x64xf32, #tpu.memory_space<hbm>>
      %parallel_loop3A_121 = tpu.memref_squeeze %parallel_loop3A_120 : memref<1x64xf32, #tpu.memory_space<hbm>> -> memref<64xf32, #tpu.memory_space<hbm>>
      tpu.enqueue_dma source(%parallel_loop3A_121 : memref<64xf32, #tpu.memory_space<hbm>>) target(%parallel_loop3A_118 : memref<64xf32, #tpu.memory_space<vmem>>) target_semaphore(%arg7 : memref<!tpu.dma_semaphore, #tpu.memory_space<semaphore_mem>>)
      %parallel_loop3A_122 = vector.extract_strided_slice %parallel_loop3A_31 {offsets = [5], sizes = [1], strides = [1]} : vector<16xi32> to vector<1xi32>
      %parallel_loop3A_123 = vector.extract %parallel_loop3A_122[0] : i32 from vector<1xi32>
      %parallel_loop3A_124 = arith.constant 16 : i32
      %parallel_loop3A_125 = arith.muli %parallel_loop3A_26, %parallel_loop3A_124 : i32
      %parallel_loop3A_126 = arith.constant 5 : i32
      %parallel_loop3A_127 = arith.addi %parallel_loop3A_125, %parallel_loop3A_126 : i32
      %parallel_loop3A_128 = arith.constant 0 : i32
      %parallel_loop3A_129 = tpu.memref_slice %arg6[%parallel_loop3A_127, %parallel_loop3A_128] : memref<512x64xf32, #tpu.memory_space<vmem>> -> memref<1x64xf32, #tpu.memory_space<vmem>>
      %parallel_loop3A_130 = tpu.memref_squeeze %parallel_loop3A_129 : memref<1x64xf32, #tpu.memory_space<vmem>> -> memref<64xf32, #tpu.memory_space<vmem>>
      %parallel_loop3A_131 = arith.constant 0 : i32
      %parallel_loop3A_132 = tpu.memref_slice %arg2[%parallel_loop3A_123, %parallel_loop3A_131] : memref<1000000x64xf32, #tpu.memory_space<hbm>> -> memref<1x64xf32, #tpu.memory_space<hbm>>
      %parallel_loop3A_133 = tpu.memref_squeeze %parallel_loop3A_132 : memref<1x64xf32, #tpu.memory_space<hbm>> -> memref<64xf32, #tpu.memory_space<hbm>>
      %parallel_loop3A_134 = arith.constant 0 : i32
      %parallel_loop3A_135 = tpu.memref_slice %arg6[%parallel_loop3A_127, %parallel_loop3A_134] : memref<512x64xf32, #tpu.memory_space<vmem>> -> memref<1x64xf32, #tpu.memory_space<vmem>>
      %parallel_loop3A_136 = tpu.memref_squeeze %parallel_loop3A_135 : memref<1x64xf32, #tpu.memory_space<vmem>> -> memref<64xf32, #tpu.memory_space<vmem>>
      %parallel_loop3A_137 = arith.constant 0 : i32
      %parallel_loop3A_138 = tpu.memref_slice %arg2[%parallel_loop3A_123, %parallel_loop3A_137] : memref<1000000x64xf32, #tpu.memory_space<hbm>> -> memref<1x64xf32, #tpu.memory_space<hbm>>
      %parallel_loop3A_139 = tpu.memref_squeeze %parallel_loop3A_138 : memref<1x64xf32, #tpu.memory_space<hbm>> -> memref<64xf32, #tpu.memory_space<hbm>>
      tpu.enqueue_dma source(%parallel_loop3A_139 : memref<64xf32, #tpu.memory_space<hbm>>) target(%parallel_loop3A_136 : memref<64xf32, #tpu.memory_space<vmem>>) target_semaphore(%arg7 : memref<!tpu.dma_semaphore, #tpu.memory_space<semaphore_mem>>)
      %parallel_loop3A_140 = vector.extract_strided_slice %parallel_loop3A_31 {offsets = [6], sizes = [1], strides = [1]} : vector<16xi32> to vector<1xi32>
      %parallel_loop3A_141 = vector.extract %parallel_loop3A_140[0] : i32 from vector<1xi32>
      %parallel_loop3A_142 = arith.constant 16 : i32
      %parallel_loop3A_143 = arith.muli %parallel_loop3A_26, %parallel_loop3A_142 : i32
      %parallel_loop3A_144 = arith.constant 6 : i32
      %parallel_loop3A_145 = arith.addi %parallel_loop3A_143, %parallel_loop3A_144 : i32
      %parallel_loop3A_146 = arith.constant 0 : i32
      %parallel_loop3A_147 = tpu.memref_slice %arg6[%parallel_loop3A_145, %parallel_loop3A_146] : memref<512x64xf32, #tpu.memory_space<vmem>> -> memref<1x64xf32, #tpu.memory_space<vmem>>
      %parallel_loop3A_148 = tpu.memref_squeeze %parallel_loop3A_147 : memref<1x64xf32, #tpu.memory_space<vmem>> -> memref<64xf32, #tpu.memory_space<vmem>>
      %parallel_loop3A_149 = arith.constant 0 : i32
      %parallel_loop3A_150 = tpu.memref_slice %arg2[%parallel_loop3A_141, %parallel_loop3A_149] : memref<1000000x64xf32, #tpu.memory_space<hbm>> -> memref<1x64xf32, #tpu.memory_space<hbm>>
      %parallel_loop3A_151 = tpu.memref_squeeze %parallel_loop3A_150 : memref<1x64xf32, #tpu.memory_space<hbm>> -> memref<64xf32, #tpu.memory_space<hbm>>
      %parallel_loop3A_152 = arith.constant 0 : i32
      %parallel_loop3A_153 = tpu.memref_slice %arg6[%parallel_loop3A_145, %parallel_loop3A_152] : memref<512x64xf32, #tpu.memory_space<vmem>> -> memref<1x64xf32, #tpu.memory_space<vmem>>
      %parallel_loop3A_154 = tpu.memref_squeeze %parallel_loop3A_153 : memref<1x64xf32, #tpu.memory_space<vmem>> -> memref<64xf32, #tpu.memory_space<vmem>>
      %parallel_loop3A_155 = arith.constant 0 : i32
      %parallel_loop3A_156 = tpu.memref_slice %arg2[%parallel_loop3A_141, %parallel_loop3A_155] : memref<1000000x64xf32, #tpu.memory_space<hbm>> -> memref<1x64xf32, #tpu.memory_space<hbm>>
      %parallel_loop3A_157 = tpu.memref_squeeze %parallel_loop3A_156 : memref<1x64xf32, #tpu.memory_space<hbm>> -> memref<64xf32, #tpu.memory_space<hbm>>
      tpu.enqueue_dma source(%parallel_loop3A_157 : memref<64xf32, #tpu.memory_space<hbm>>) target(%parallel_loop3A_154 : memref<64xf32, #tpu.memory_space<vmem>>) target_semaphore(%arg7 : memref<!tpu.dma_semaphore, #tpu.memory_space<semaphore_mem>>)
      %parallel_loop3A_158 = vector.extract_strided_slice %parallel_loop3A_31 {offsets = [7], sizes = [1], strides = [1]} : vector<16xi32> to vector<1xi32>
      %parallel_loop3A_159 = vector.extract %parallel_loop3A_158[0] : i32 from vector<1xi32>
      %parallel_loop3A_160 = arith.constant 16 : i32
      %parallel_loop3A_161 = arith.muli %parallel_loop3A_26, %parallel_loop3A_160 : i32
      %parallel_loop3A_162 = arith.constant 7 : i32
      %parallel_loop3A_163 = arith.addi %parallel_loop3A_161, %parallel_loop3A_162 : i32
      %parallel_loop3A_164 = arith.constant 0 : i32
      %parallel_loop3A_165 = tpu.memref_slice %arg6[%parallel_loop3A_163, %parallel_loop3A_164] : memref<512x64xf32, #tpu.memory_space<vmem>> -> memref<1x64xf32, #tpu.memory_space<vmem>>
      %parallel_loop3A_166 = tpu.memref_squeeze %parallel_loop3A_165 : memref<1x64xf32, #tpu.memory_space<vmem>> -> memref<64xf32, #tpu.memory_space<vmem>>
      %parallel_loop3A_167 = arith.constant 0 : i32
      %parallel_loop3A_168 = tpu.memref_slice %arg2[%parallel_loop3A_159, %parallel_loop3A_167] : memref<1000000x64xf32, #tpu.memory_space<hbm>> -> memref<1x64xf32, #tpu.memory_space<hbm>>
      %parallel_loop3A_169 = tpu.memref_squeeze %parallel_loop3A_168 : memref<1x64xf32, #tpu.memory_space<hbm>> -> memref<64xf32, #tpu.memory_space<hbm>>
      %parallel_loop3A_170 = arith.constant 0 : i32
      %parallel_loop3A_171 = tpu.memref_slice %arg6[%parallel_loop3A_163, %parallel_loop3A_170] : memref<512x64xf32, #tpu.memory_space<vmem>> -> memref<1x64xf32, #tpu.memory_space<vmem>>
      %parallel_loop3A_172 = tpu.memref_squeeze %parallel_loop3A_171 : memref<1x64xf32, #tpu.memory_space<vmem>> -> memref<64xf32, #tpu.memory_space<vmem>>
      %parallel_loop3A_173 = arith.constant 0 : i32
      %parallel_loop3A_174 = tpu.memref_slice %arg2[%parallel_loop3A_159, %parallel_loop3A_173] : memref<1000000x64xf32, #tpu.memory_space<hbm>> -> memref<1x64xf32, #tpu.memory_space<hbm>>
      %parallel_loop3A_175 = tpu.memref_squeeze %parallel_loop3A_174 : memref<1x64xf32, #tpu.memory_space<hbm>> -> memref<64xf32, #tpu.memory_space<hbm>>
      tpu.enqueue_dma source(%parallel_loop3A_175 : memref<64xf32, #tpu.memory_space<hbm>>) target(%parallel_loop3A_172 : memref<64xf32, #tpu.memory_space<vmem>>) target_semaphore(%arg7 : memref<!tpu.dma_semaphore, #tpu.memory_space<semaphore_mem>>)
      %parallel_loop3A_176 = vector.extract_strided_slice %parallel_loop3A_31 {offsets = [8], sizes = [1], strides = [1]} : vector<16xi32> to vector<1xi32>
      %parallel_loop3A_177 = vector.extract %parallel_loop3A_176[0] : i32 from vector<1xi32>
      %parallel_loop3A_178 = arith.constant 16 : i32
      %parallel_loop3A_179 = arith.muli %parallel_loop3A_26, %parallel_loop3A_178 : i32
      %parallel_loop3A_180 = arith.constant 8 : i32
      %parallel_loop3A_181 = arith.addi %parallel_loop3A_179, %parallel_loop3A_180 : i32
      %parallel_loop3A_182 = arith.constant 0 : i32
      %parallel_loop3A_183 = tpu.memref_slice %arg6[%parallel_loop3A_181, %parallel_loop3A_182] : memref<512x64xf32, #tpu.memory_space<vmem>> -> memref<1x64xf32, #tpu.memory_space<vmem>>
      %parallel_loop3A_184 = tpu.memref_squeeze %parallel_loop3A_183 : memref<1x64xf32, #tpu.memory_space<vmem>> -> memref<64xf32, #tpu.memory_space<vmem>>
      %parallel_loop3A_185 = arith.constant 0 : i32
      %parallel_loop3A_186 = tpu.memref_slice %arg2[%parallel_loop3A_177, %parallel_loop3A_185] : memref<1000000x64xf32, #tpu.memory_space<hbm>> -> memref<1x64xf32, #tpu.memory_space<hbm>>
      %parallel_loop3A_187 = tpu.memref_squeeze %parallel_loop3A_186 : memref<1x64xf32, #tpu.memory_space<hbm>> -> memref<64xf32, #tpu.memory_space<hbm>>
      %parallel_loop3A_188 = arith.constant 0 : i32
      %parallel_loop3A_189 = tpu.memref_slice %arg6[%parallel_loop3A_181, %parallel_loop3A_188] : memref<512x64xf32, #tpu.memory_space<vmem>> -> memref<1x64xf32, #tpu.memory_space<vmem>>
      %parallel_loop3A_190 = tpu.memref_squeeze %parallel_loop3A_189 : memref<1x64xf32, #tpu.memory_space<vmem>> -> memref<64xf32, #tpu.memory_space<vmem>>
      %parallel_loop3A_191 = arith.constant 0 : i32
      %parallel_loop3A_192 = tpu.memref_slice %arg2[%parallel_loop3A_177, %parallel_loop3A_191] : memref<1000000x64xf32, #tpu.memory_space<hbm>> -> memref<1x64xf32, #tpu.memory_space<hbm>>
      %parallel_loop3A_193 = tpu.memref_squeeze %parallel_loop3A_192 : memref<1x64xf32, #tpu.memory_space<hbm>> -> memref<64xf32, #tpu.memory_space<hbm>>
      tpu.enqueue_dma source(%parallel_loop3A_193 : memref<64xf32, #tpu.memory_space<hbm>>) target(%parallel_loop3A_190 : memref<64xf32, #tpu.memory_space<vmem>>) target_semaphore(%arg7 : memref<!tpu.dma_semaphore, #tpu.memory_space<semaphore_mem>>)
      %parallel_loop3A_194 = vector.extract_strided_slice %parallel_loop3A_31 {offsets = [9], sizes = [1], strides = [1]} : vector<16xi32> to vector<1xi32>
      %parallel_loop3A_195 = vector.extract %parallel_loop3A_194[0] : i32 from vector<1xi32>
      %parallel_loop3A_196 = arith.constant 16 : i32
      %parallel_loop3A_197 = arith.muli %parallel_loop3A_26, %parallel_loop3A_196 : i32
      %parallel_loop3A_198 = arith.constant 9 : i32
      %parallel_loop3A_199 = arith.addi %parallel_loop3A_197, %parallel_loop3A_198 : i32
      %parallel_loop3A_200 = arith.constant 0 : i32
      %parallel_loop3A_201 = tpu.memref_slice %arg6[%parallel_loop3A_199, %parallel_loop3A_200] : memref<512x64xf32, #tpu.memory_space<vmem>> -> memref<1x64xf32, #tpu.memory_space<vmem>>
      %parallel_loop3A_202 = tpu.memref_squeeze %parallel_loop3A_201 : memref<1x64xf32, #tpu.memory_space<vmem>> -> memref<64xf32, #tpu.memory_space<vmem>>
      %parallel_loop3A_203 = arith.constant 0 : i32
      %parallel_loop3A_204 = tpu.memref_slice %arg2[%parallel_loop3A_195, %parallel_loop3A_203] : memref<1000000x64xf32, #tpu.memory_space<hbm>> -> memref<1x64xf32, #tpu.memory_space<hbm>>
      %parallel_loop3A_205 = tpu.memref_squeeze %parallel_loop3A_204 : memref<1x64xf32, #tpu.memory_space<hbm>> -> memref<64xf32, #tpu.memory_space<hbm>>
      %parallel_loop3A_206 = arith.constant 0 : i32
      %parallel_loop3A_207 = tpu.memref_slice %arg6[%parallel_loop3A_199, %parallel_loop3A_206] : memref<512x64xf32, #tpu.memory_space<vmem>> -> memref<1x64xf32, #tpu.memory_space<vmem>>
      %parallel_loop3A_208 = tpu.memref_squeeze %parallel_loop3A_207 : memref<1x64xf32, #tpu.memory_space<vmem>> -> memref<64xf32, #tpu.memory_space<vmem>>
      %parallel_loop3A_209 = arith.constant 0 : i32
      %parallel_loop3A_210 = tpu.memref_slice %arg2[%parallel_loop3A_195, %parallel_loop3A_209] : memref<1000000x64xf32, #tpu.memory_space<hbm>> -> memref<1x64xf32, #tpu.memory_space<hbm>>
      %parallel_loop3A_211 = tpu.memref_squeeze %parallel_loop3A_210 : memref<1x64xf32, #tpu.memory_space<hbm>> -> memref<64xf32, #tpu.memory_space<hbm>>
      tpu.enqueue_dma source(%parallel_loop3A_211 : memref<64xf32, #tpu.memory_space<hbm>>) target(%parallel_loop3A_208 : memref<64xf32, #tpu.memory_space<vmem>>) target_semaphore(%arg7 : memref<!tpu.dma_semaphore, #tpu.memory_space<semaphore_mem>>)
      %parallel_loop3A_212 = vector.extract_strided_slice %parallel_loop3A_31 {offsets = [10], sizes = [1], strides = [1]} : vector<16xi32> to vector<1xi32>
      %parallel_loop3A_213 = vector.extract %parallel_loop3A_212[0] : i32 from vector<1xi32>
      %parallel_loop3A_214 = arith.constant 16 : i32
      %parallel_loop3A_215 = arith.muli %parallel_loop3A_26, %parallel_loop3A_214 : i32
      %parallel_loop3A_216 = arith.constant 10 : i32
      %parallel_loop3A_217 = arith.addi %parallel_loop3A_215, %parallel_loop3A_216 : i32
      %parallel_loop3A_218 = arith.constant 0 : i32
      %parallel_loop3A_219 = tpu.memref_slice %arg6[%parallel_loop3A_217, %parallel_loop3A_218] : memref<512x64xf32, #tpu.memory_space<vmem>> -> memref<1x64xf32, #tpu.memory_space<vmem>>
      %parallel_loop3A_220 = tpu.memref_squeeze %parallel_loop3A_219 : memref<1x64xf32, #tpu.memory_space<vmem>> -> memref<64xf32, #tpu.memory_space<vmem>>
      %parallel_loop3A_221 = arith.constant 0 : i32
      %parallel_loop3A_222 = tpu.memref_slice %arg2[%parallel_loop3A_213, %parallel_loop3A_221] : memref<1000000x64xf32, #tpu.memory_space<hbm>> -> memref<1x64xf32, #tpu.memory_space<hbm>>
      %parallel_loop3A_223 = tpu.memref_squeeze %parallel_loop3A_222 : memref<1x64xf32, #tpu.memory_space<hbm>> -> memref<64xf32, #tpu.memory_space<hbm>>
      %parallel_loop3A_224 = arith.constant 0 : i32
      %parallel_loop3A_225 = tpu.memref_slice %arg6[%parallel_loop3A_217, %parallel_loop3A_224] : memref<512x64xf32, #tpu.memory_space<vmem>> -> memref<1x64xf32, #tpu.memory_space<vmem>>
      %parallel_loop3A_226 = tpu.memref_squeeze %parallel_loop3A_225 : memref<1x64xf32, #tpu.memory_space<vmem>> -> memref<64xf32, #tpu.memory_space<vmem>>
      %parallel_loop3A_227 = arith.constant 0 : i32
      %parallel_loop3A_228 = tpu.memref_slice %arg2[%parallel_loop3A_213, %parallel_loop3A_227] : memref<1000000x64xf32, #tpu.memory_space<hbm>> -> memref<1x64xf32, #tpu.memory_space<hbm>>
      %parallel_loop3A_229 = tpu.memref_squeeze %parallel_loop3A_228 : memref<1x64xf32, #tpu.memory_space<hbm>> -> memref<64xf32, #tpu.memory_space<hbm>>
      tpu.enqueue_dma source(%parallel_loop3A_229 : memref<64xf32, #tpu.memory_space<hbm>>) target(%parallel_loop3A_226 : memref<64xf32, #tpu.memory_space<vmem>>) target_semaphore(%arg7 : memref<!tpu.dma_semaphore, #tpu.memory_space<semaphore_mem>>)
      %parallel_loop3A_230 = vector.extract_strided_slice %parallel_loop3A_31 {offsets = [11], sizes = [1], strides = [1]} : vector<16xi32> to vector<1xi32>
      %parallel_loop3A_231 = vector.extract %parallel_loop3A_230[0] : i32 from vector<1xi32>
      %parallel_loop3A_232 = arith.constant 16 : i32
      %parallel_loop3A_233 = arith.muli %parallel_loop3A_26, %parallel_loop3A_232 : i32
      %parallel_loop3A_234 = arith.constant 11 : i32
      %parallel_loop3A_235 = arith.addi %parallel_loop3A_233, %parallel_loop3A_234 : i32
      %parallel_loop3A_236 = arith.constant 0 : i32
      %parallel_loop3A_237 = tpu.memref_slice %arg6[%parallel_loop3A_235, %parallel_loop3A_236] : memref<512x64xf32, #tpu.memory_space<vmem>> -> memref<1x64xf32, #tpu.memory_space<vmem>>
      %parallel_loop3A_238 = tpu.memref_squeeze %parallel_loop3A_237 : memref<1x64xf32, #tpu.memory_space<vmem>> -> memref<64xf32, #tpu.memory_space<vmem>>
      %parallel_loop3A_239 = arith.constant 0 : i32
      %parallel_loop3A_240 = tpu.memref_slice %arg2[%parallel_loop3A_231, %parallel_loop3A_239] : memref<1000000x64xf32, #tpu.memory_space<hbm>> -> memref<1x64xf32, #tpu.memory_space<hbm>>
      %parallel_loop3A_241 = tpu.memref_squeeze %parallel_loop3A_240 : memref<1x64xf32, #tpu.memory_space<hbm>> -> memref<64xf32, #tpu.memory_space<hbm>>
      %parallel_loop3A_242 = arith.constant 0 : i32
      %parallel_loop3A_243 = tpu.memref_slice %arg6[%parallel_loop3A_235, %parallel_loop3A_242] : memref<512x64xf32, #tpu.memory_space<vmem>> -> memref<1x64xf32, #tpu.memory_space<vmem>>
      %parallel_loop3A_244 = tpu.memref_squeeze %parallel_loop3A_243 : memref<1x64xf32, #tpu.memory_space<vmem>> -> memref<64xf32, #tpu.memory_space<vmem>>
      %parallel_loop3A_245 = arith.constant 0 : i32
      %parallel_loop3A_246 = tpu.memref_slice %arg2[%parallel_loop3A_231, %parallel_loop3A_245] : memref<1000000x64xf32, #tpu.memory_space<hbm>> -> memref<1x64xf32, #tpu.memory_space<hbm>>
      %parallel_loop3A_247 = tpu.memref_squeeze %parallel_loop3A_246 : memref<1x64xf32, #tpu.memory_space<hbm>> -> memref<64xf32, #tpu.memory_space<hbm>>
      tpu.enqueue_dma source(%parallel_loop3A_247 : memref<64xf32, #tpu.memory_space<hbm>>) target(%parallel_loop3A_244 : memref<64xf32, #tpu.memory_space<vmem>>) target_semaphore(%arg7 : memref<!tpu.dma_semaphore, #tpu.memory_space<semaphore_mem>>)
      %parallel_loop3A_248 = vector.extract_strided_slice %parallel_loop3A_31 {offsets = [12], sizes = [1], strides = [1]} : vector<16xi32> to vector<1xi32>
      %parallel_loop3A_249 = vector.extract %parallel_loop3A_248[0] : i32 from vector<1xi32>
      %parallel_loop3A_250 = arith.constant 16 : i32
      %parallel_loop3A_251 = arith.muli %parallel_loop3A_26, %parallel_loop3A_250 : i32
      %parallel_loop3A_252 = arith.constant 12 : i32
      %parallel_loop3A_253 = arith.addi %parallel_loop3A_251, %parallel_loop3A_252 : i32
      %parallel_loop3A_254 = arith.constant 0 : i32
      %parallel_loop3A_255 = tpu.memref_slice %arg6[%parallel_loop3A_253, %parallel_loop3A_254] : memref<512x64xf32, #tpu.memory_space<vmem>> -> memref<1x64xf32, #tpu.memory_space<vmem>>
      %parallel_loop3A_256 = tpu.memref_squeeze %parallel_loop3A_255 : memref<1x64xf32, #tpu.memory_space<vmem>> -> memref<64xf32, #tpu.memory_space<vmem>>
      %parallel_loop3A_257 = arith.constant 0 : i32
      %parallel_loop3A_258 = tpu.memref_slice %arg2[%parallel_loop3A_249, %parallel_loop3A_257] : memref<1000000x64xf32, #tpu.memory_space<hbm>> -> memref<1x64xf32, #tpu.memory_space<hbm>>
      %parallel_loop3A_259 = tpu.memref_squeeze %parallel_loop3A_258 : memref<1x64xf32, #tpu.memory_space<hbm>> -> memref<64xf32, #tpu.memory_space<hbm>>
      %parallel_loop3A_260 = arith.constant 0 : i32
      %parallel_loop3A_261 = tpu.memref_slice %arg6[%parallel_loop3A_253, %parallel_loop3A_260] : memref<512x64xf32, #tpu.memory_space<vmem>> -> memref<1x64xf32, #tpu.memory_space<vmem>>
      %parallel_loop3A_262 = tpu.memref_squeeze %parallel_loop3A_261 : memref<1x64xf32, #tpu.memory_space<vmem>> -> memref<64xf32, #tpu.memory_space<vmem>>
      %parallel_loop3A_263 = arith.constant 0 : i32
      %parallel_loop3A_264 = tpu.memref_slice %arg2[%parallel_loop3A_249, %parallel_loop3A_263] : memref<1000000x64xf32, #tpu.memory_space<hbm>> -> memref<1x64xf32, #tpu.memory_space<hbm>>
      %parallel_loop3A_265 = tpu.memref_squeeze %parallel_loop3A_264 : memref<1x64xf32, #tpu.memory_space<hbm>> -> memref<64xf32, #tpu.memory_space<hbm>>
      tpu.enqueue_dma source(%parallel_loop3A_265 : memref<64xf32, #tpu.memory_space<hbm>>) target(%parallel_loop3A_262 : memref<64xf32, #tpu.memory_space<vmem>>) target_semaphore(%arg7 : memref<!tpu.dma_semaphore, #tpu.memory_space<semaphore_mem>>)
      %parallel_loop3A_266 = vector.extract_strided_slice %parallel_loop3A_31 {offsets = [13], sizes = [1], strides = [1]} : vector<16xi32> to vector<1xi32>
      %parallel_loop3A_267 = vector.extract %parallel_loop3A_266[0] : i32 from vector<1xi32>
      %parallel_loop3A_268 = arith.constant 16 : i32
      %parallel_loop3A_269 = arith.muli %parallel_loop3A_26, %parallel_loop3A_268 : i32
      %parallel_loop3A_270 = arith.constant 13 : i32
      %parallel_loop3A_271 = arith.addi %parallel_loop3A_269, %parallel_loop3A_270 : i32
      %parallel_loop3A_272 = arith.constant 0 : i32
      %parallel_loop3A_273 = tpu.memref_slice %arg6[%parallel_loop3A_271, %parallel_loop3A_272] : memref<512x64xf32, #tpu.memory_space<vmem>> -> memref<1x64xf32, #tpu.memory_space<vmem>>
      %parallel_loop3A_274 = tpu.memref_squeeze %parallel_loop3A_273 : memref<1x64xf32, #tpu.memory_space<vmem>> -> memref<64xf32, #tpu.memory_space<vmem>>
      %parallel_loop3A_275 = arith.constant 0 : i32
      %parallel_loop3A_276 = tpu.memref_slice %arg2[%parallel_loop3A_267, %parallel_loop3A_275] : memref<1000000x64xf32, #tpu.memory_space<hbm>> -> memref<1x64xf32, #tpu.memory_space<hbm>>
      %parallel_loop3A_277 = tpu.memref_squeeze %parallel_loop3A_276 : memref<1x64xf32, #tpu.memory_space<hbm>> -> memref<64xf32, #tpu.memory_space<hbm>>
      %parallel_loop3A_278 = arith.constant 0 : i32
      %parallel_loop3A_279 = tpu.memref_slice %arg6[%parallel_loop3A_271, %parallel_loop3A_278] : memref<512x64xf32, #tpu.memory_space<vmem>> -> memref<1x64xf32, #tpu.memory_space<vmem>>
      %parallel_loop3A_280 = tpu.memref_squeeze %parallel_loop3A_279 : memref<1x64xf32, #tpu.memory_space<vmem>> -> memref<64xf32, #tpu.memory_space<vmem>>
      %parallel_loop3A_281 = arith.constant 0 : i32
      %parallel_loop3A_282 = tpu.memref_slice %arg2[%parallel_loop3A_267, %parallel_loop3A_281] : memref<1000000x64xf32, #tpu.memory_space<hbm>> -> memref<1x64xf32, #tpu.memory_space<hbm>>
      %parallel_loop3A_283 = tpu.memref_squeeze %parallel_loop3A_282 : memref<1x64xf32, #tpu.memory_space<hbm>> -> memref<64xf32, #tpu.memory_space<hbm>>
      tpu.enqueue_dma source(%parallel_loop3A_283 : memref<64xf32, #tpu.memory_space<hbm>>) target(%parallel_loop3A_280 : memref<64xf32, #tpu.memory_space<vmem>>) target_semaphore(%arg7 : memref<!tpu.dma_semaphore, #tpu.memory_space<semaphore_mem>>)
      %parallel_loop3A_284 = vector.extract_strided_slice %parallel_loop3A_31 {offsets = [14], sizes = [1], strides = [1]} : vector<16xi32> to vector<1xi32>
      %parallel_loop3A_285 = vector.extract %parallel_loop3A_284[0] : i32 from vector<1xi32>
      %parallel_loop3A_286 = arith.constant 16 : i32
      %parallel_loop3A_287 = arith.muli %parallel_loop3A_26, %parallel_loop3A_286 : i32
      %parallel_loop3A_288 = arith.constant 14 : i32
      %parallel_loop3A_289 = arith.addi %parallel_loop3A_287, %parallel_loop3A_288 : i32
      %parallel_loop3A_290 = arith.constant 0 : i32
      %parallel_loop3A_291 = tpu.memref_slice %arg6[%parallel_loop3A_289, %parallel_loop3A_290] : memref<512x64xf32, #tpu.memory_space<vmem>> -> memref<1x64xf32, #tpu.memory_space<vmem>>
      %parallel_loop3A_292 = tpu.memref_squeeze %parallel_loop3A_291 : memref<1x64xf32, #tpu.memory_space<vmem>> -> memref<64xf32, #tpu.memory_space<vmem>>
      %parallel_loop3A_293 = arith.constant 0 : i32
      %parallel_loop3A_294 = tpu.memref_slice %arg2[%parallel_loop3A_285, %parallel_loop3A_293] : memref<1000000x64xf32, #tpu.memory_space<hbm>> -> memref<1x64xf32, #tpu.memory_space<hbm>>
      %parallel_loop3A_295 = tpu.memref_squeeze %parallel_loop3A_294 : memref<1x64xf32, #tpu.memory_space<hbm>> -> memref<64xf32, #tpu.memory_space<hbm>>
      %parallel_loop3A_296 = arith.constant 0 : i32
      %parallel_loop3A_297 = tpu.memref_slice %arg6[%parallel_loop3A_289, %parallel_loop3A_296] : memref<512x64xf32, #tpu.memory_space<vmem>> -> memref<1x64xf32, #tpu.memory_space<vmem>>
      %parallel_loop3A_298 = tpu.memref_squeeze %parallel_loop3A_297 : memref<1x64xf32, #tpu.memory_space<vmem>> -> memref<64xf32, #tpu.memory_space<vmem>>
      %parallel_loop3A_299 = arith.constant 0 : i32
      %parallel_loop3A_300 = tpu.memref_slice %arg2[%parallel_loop3A_285, %parallel_loop3A_299] : memref<1000000x64xf32, #tpu.memory_space<hbm>> -> memref<1x64xf32, #tpu.memory_space<hbm>>
      %parallel_loop3A_301 = tpu.memref_squeeze %parallel_loop3A_300 : memref<1x64xf32, #tpu.memory_space<hbm>> -> memref<64xf32, #tpu.memory_space<hbm>>
      tpu.enqueue_dma source(%parallel_loop3A_301 : memref<64xf32, #tpu.memory_space<hbm>>) target(%parallel_loop3A_298 : memref<64xf32, #tpu.memory_space<vmem>>) target_semaphore(%arg7 : memref<!tpu.dma_semaphore, #tpu.memory_space<semaphore_mem>>)
      %parallel_loop3A_302 = vector.extract_strided_slice %parallel_loop3A_31 {offsets = [15], sizes = [1], strides = [1]} : vector<16xi32> to vector<1xi32>
      %parallel_loop3A_303 = vector.extract %parallel_loop3A_302[0] : i32 from vector<1xi32>
      %parallel_loop3A_304 = arith.constant 16 : i32
      %parallel_loop3A_305 = arith.muli %parallel_loop3A_26, %parallel_loop3A_304 : i32
      %parallel_loop3A_306 = arith.constant 15 : i32
      %parallel_loop3A_307 = arith.addi %parallel_loop3A_305, %parallel_loop3A_306 : i32
      %parallel_loop3A_308 = arith.constant 0 : i32
      %parallel_loop3A_309 = tpu.memref_slice %arg6[%parallel_loop3A_307, %parallel_loop3A_308] : memref<512x64xf32, #tpu.memory_space<vmem>> -> memref<1x64xf32, #tpu.memory_space<vmem>>
      %parallel_loop3A_310 = tpu.memref_squeeze %parallel_loop3A_309 : memref<1x64xf32, #tpu.memory_space<vmem>> -> memref<64xf32, #tpu.memory_space<vmem>>
      %parallel_loop3A_311 = arith.constant 0 : i32
      %parallel_loop3A_312 = tpu.memref_slice %arg2[%parallel_loop3A_303, %parallel_loop3A_311] : memref<1000000x64xf32, #tpu.memory_space<hbm>> -> memref<1x64xf32, #tpu.memory_space<hbm>>
      %parallel_loop3A_313 = tpu.memref_squeeze %parallel_loop3A_312 : memref<1x64xf32, #tpu.memory_space<hbm>> -> memref<64xf32, #tpu.memory_space<hbm>>
      %parallel_loop3A_314 = arith.constant 0 : i32
      %parallel_loop3A_315 = tpu.memref_slice %arg6[%parallel_loop3A_307, %parallel_loop3A_314] : memref<512x64xf32, #tpu.memory_space<vmem>> -> memref<1x64xf32, #tpu.memory_space<vmem>>
      %parallel_loop3A_316 = tpu.memref_squeeze %parallel_loop3A_315 : memref<1x64xf32, #tpu.memory_space<vmem>> -> memref<64xf32, #tpu.memory_space<vmem>>
      %parallel_loop3A_317 = arith.constant 0 : i32
      %parallel_loop3A_318 = tpu.memref_slice %arg2[%parallel_loop3A_303, %parallel_loop3A_317] : memref<1000000x64xf32, #tpu.memory_space<hbm>> -> memref<1x64xf32, #tpu.memory_space<hbm>>
      %parallel_loop3A_319 = tpu.memref_squeeze %parallel_loop3A_318 : memref<1x64xf32, #tpu.memory_space<hbm>> -> memref<64xf32, #tpu.memory_space<hbm>>
      tpu.enqueue_dma source(%parallel_loop3A_319 : memref<64xf32, #tpu.memory_space<hbm>>) target(%parallel_loop3A_316 : memref<64xf32, #tpu.memory_space<vmem>>) target_semaphore(%arg7 : memref<!tpu.dma_semaphore, #tpu.memory_space<semaphore_mem>>)
    } {sc.loop_unroll_factor = 2 : i64, sc.parallel_access}
    %parallel_loop3A_5 = arith.constant 23 : i32
    %parallel_loop3A_6 = arith.constant 32 : i32
    %parallel_loop3A_7 = arith.constant 1 : i32
    scf.for %parallel_loop3A_26 = %parallel_loop3A_5 to %parallel_loop3A_6 step %parallel_loop3A_7  : i32 {
      %parallel_loop3A_27 = arith.constant 16 : i32
      %parallel_loop3A_28 = arith.muli %parallel_loop3A_26, %parallel_loop3A_27 : i32
      %parallel_loop3A_29 = arith.index_cast %parallel_loop3A_28 : i32 to index
      %parallel_loop3A_30 = tpu.vector_load %arg5[%parallel_loop3A_29] {strides = array<i32>} : memref<512xi32, #tpu.memory_space<vmem>>, vector<16xi32>,
      %parallel_loop3A_31 = vector.shape_cast %parallel_loop3A_30 : vector<16xi32> to vector<16xi32>
      %parallel_loop3A_32 = vector.extract_strided_slice %parallel_loop3A_31 {offsets = [0], sizes = [1], strides = [1]} : vector<16xi32> to vector<1xi32>
      %parallel_loop3A_33 = vector.extract %parallel_loop3A_32[0] : i32 from vector<1xi32>
      %parallel_loop3A_34 = arith.constant 16 : i32
      %parallel_loop3A_35 = arith.muli %parallel_loop3A_26, %parallel_loop3A_34 : i32
      %parallel_loop3A_36 = arith.addi %mul3A_2, %parallel_loop3A_35 : i32
      %parallel_loop3A_37 = arith.constant 0 : i32
      %parallel_loop3A_38 = arith.addi %parallel_loop3A_36, %parallel_loop3A_37 : i32
      %parallel_loop3A_39 = arith.constant 0 : i32
      %parallel_loop3A_40 = tpu.memref_slice %arg4[%parallel_loop3A_38, %parallel_loop3A_39] : memref<16384x64xf32, #tpu.memory_space<hbm>> -> memref<1x64xf32, #tpu.memory_space<hbm>>
      %parallel_loop3A_41 = tpu.memref_squeeze %parallel_loop3A_40 : memref<1x64xf32, #tpu.memory_space<hbm>> -> memref<64xf32, #tpu.memory_space<hbm>>
      %parallel_loop3A_42 = arith.constant 0 : i32
      %parallel_loop3A_43 = tpu.memref_slice %arg2[%parallel_loop3A_33, %parallel_loop3A_42] : memref<1000000x64xf32, #tpu.memory_space<hbm>> -> memref<1x64xf32, #tpu.memory_space<hbm>>
      %parallel_loop3A_44 = tpu.memref_squeeze %parallel_loop3A_43 : memref<1x64xf32, #tpu.memory_space<hbm>> -> memref<64xf32, #tpu.memory_space<hbm>>
      tpu.enqueue_dma source(%parallel_loop3A_44 : memref<64xf32, #tpu.memory_space<hbm>>) target(%parallel_loop3A_41 : memref<64xf32, #tpu.memory_space<hbm>>) target_semaphore(%arg8 : memref<!tpu.dma_semaphore, #tpu.memory_space<semaphore_mem>>)
      %parallel_loop3A_45 = vector.extract_strided_slice %parallel_loop3A_31 {offsets = [1], sizes = [1], strides = [1]} : vector<16xi32> to vector<1xi32>
      %parallel_loop3A_46 = vector.extract %parallel_loop3A_45[0] : i32 from vector<1xi32>
      %parallel_loop3A_47 = arith.constant 16 : i32
      %parallel_loop3A_48 = arith.muli %parallel_loop3A_26, %parallel_loop3A_47 : i32
      %parallel_loop3A_49 = arith.addi %mul3A_2, %parallel_loop3A_48 : i32
      %parallel_loop3A_50 = arith.constant 1 : i32
      %parallel_loop3A_51 = arith.addi %parallel_loop3A_49, %parallel_loop3A_50 : i32
      %parallel_loop3A_52 = arith.constant 0 : i32
      %parallel_loop3A_53 = tpu.memref_slice %arg4[%parallel_loop3A_51, %parallel_loop3A_52] : memref<16384x64xf32, #tpu.memory_space<hbm>> -> memref<1x64xf32, #tpu.memory_space<hbm>>
      %parallel_loop3A_54 = tpu.memref_squeeze %parallel_loop3A_53 : memref<1x64xf32, #tpu.memory_space<hbm>> -> memref<64xf32, #tpu.memory_space<hbm>>
      %parallel_loop3A_55 = arith.constant 0 : i32
      %parallel_loop3A_56 = tpu.memref_slice %arg2[%parallel_loop3A_46, %parallel_loop3A_55] : memref<1000000x64xf32, #tpu.memory_space<hbm>> -> memref<1x64xf32, #tpu.memory_space<hbm>>
      %parallel_loop3A_57 = tpu.memref_squeeze %parallel_loop3A_56 : memref<1x64xf32, #tpu.memory_space<hbm>> -> memref<64xf32, #tpu.memory_space<hbm>>
      tpu.enqueue_dma source(%parallel_loop3A_57 : memref<64xf32, #tpu.memory_space<hbm>>) target(%parallel_loop3A_54 : memref<64xf32, #tpu.memory_space<hbm>>) target_semaphore(%arg8 : memref<!tpu.dma_semaphore, #tpu.memory_space<semaphore_mem>>)
      %parallel_loop3A_58 = vector.extract_strided_slice %parallel_loop3A_31 {offsets = [2], sizes = [1], strides = [1]} : vector<16xi32> to vector<1xi32>
      %parallel_loop3A_59 = vector.extract %parallel_loop3A_58[0] : i32 from vector<1xi32>
      %parallel_loop3A_60 = arith.constant 16 : i32
      %parallel_loop3A_61 = arith.muli %parallel_loop3A_26, %parallel_loop3A_60 : i32
      %parallel_loop3A_62 = arith.addi %mul3A_2, %parallel_loop3A_61 : i32
      %parallel_loop3A_63 = arith.constant 2 : i32
      %parallel_loop3A_64 = arith.addi %parallel_loop3A_62, %parallel_loop3A_63 : i32
      %parallel_loop3A_65 = arith.constant 0 : i32
      %parallel_loop3A_66 = tpu.memref_slice %arg4[%parallel_loop3A_64, %parallel_loop3A_65] : memref<16384x64xf32, #tpu.memory_space<hbm>> -> memref<1x64xf32, #tpu.memory_space<hbm>>
      %parallel_loop3A_67 = tpu.memref_squeeze %parallel_loop3A_66 : memref<1x64xf32, #tpu.memory_space<hbm>> -> memref<64xf32, #tpu.memory_space<hbm>>
      %parallel_loop3A_68 = arith.constant 0 : i32
      %parallel_loop3A_69 = tpu.memref_slice %arg2[%parallel_loop3A_59, %parallel_loop3A_68] : memref<1000000x64xf32, #tpu.memory_space<hbm>> -> memref<1x64xf32, #tpu.memory_space<hbm>>
      %parallel_loop3A_70 = tpu.memref_squeeze %parallel_loop3A_69 : memref<1x64xf32, #tpu.memory_space<hbm>> -> memref<64xf32, #tpu.memory_space<hbm>>
      tpu.enqueue_dma source(%parallel_loop3A_70 : memref<64xf32, #tpu.memory_space<hbm>>) target(%parallel_loop3A_67 : memref<64xf32, #tpu.memory_space<hbm>>) target_semaphore(%arg8 : memref<!tpu.dma_semaphore, #tpu.memory_space<semaphore_mem>>)
      %parallel_loop3A_71 = vector.extract_strided_slice %parallel_loop3A_31 {offsets = [3], sizes = [1], strides = [1]} : vector<16xi32> to vector<1xi32>
      %parallel_loop3A_72 = vector.extract %parallel_loop3A_71[0] : i32 from vector<1xi32>
      %parallel_loop3A_73 = arith.constant 16 : i32
      %parallel_loop3A_74 = arith.muli %parallel_loop3A_26, %parallel_loop3A_73 : i32
      %parallel_loop3A_75 = arith.addi %mul3A_2, %parallel_loop3A_74 : i32
      %parallel_loop3A_76 = arith.constant 3 : i32
      %parallel_loop3A_77 = arith.addi %parallel_loop3A_75, %parallel_loop3A_76 : i32
      %parallel_loop3A_78 = arith.constant 0 : i32
      %parallel_loop3A_79 = tpu.memref_slice %arg4[%parallel_loop3A_77, %parallel_loop3A_78] : memref<16384x64xf32, #tpu.memory_space<hbm>> -> memref<1x64xf32, #tpu.memory_space<hbm>>
      %parallel_loop3A_80 = tpu.memref_squeeze %parallel_loop3A_79 : memref<1x64xf32, #tpu.memory_space<hbm>> -> memref<64xf32, #tpu.memory_space<hbm>>
      %parallel_loop3A_81 = arith.constant 0 : i32
      %parallel_loop3A_82 = tpu.memref_slice %arg2[%parallel_loop3A_72, %parallel_loop3A_81] : memref<1000000x64xf32, #tpu.memory_space<hbm>> -> memref<1x64xf32, #tpu.memory_space<hbm>>
      %parallel_loop3A_83 = tpu.memref_squeeze %parallel_loop3A_82 : memref<1x64xf32, #tpu.memory_space<hbm>> -> memref<64xf32, #tpu.memory_space<hbm>>
      tpu.enqueue_dma source(%parallel_loop3A_83 : memref<64xf32, #tpu.memory_space<hbm>>) target(%parallel_loop3A_80 : memref<64xf32, #tpu.memory_space<hbm>>) target_semaphore(%arg8 : memref<!tpu.dma_semaphore, #tpu.memory_space<semaphore_mem>>)
      %parallel_loop3A_84 = vector.extract_strided_slice %parallel_loop3A_31 {offsets = [4], sizes = [1], strides = [1]} : vector<16xi32> to vector<1xi32>
      %parallel_loop3A_85 = vector.extract %parallel_loop3A_84[0] : i32 from vector<1xi32>
      %parallel_loop3A_86 = arith.constant 16 : i32
      %parallel_loop3A_87 = arith.muli %parallel_loop3A_26, %parallel_loop3A_86 : i32
      %parallel_loop3A_88 = arith.addi %mul3A_2, %parallel_loop3A_87 : i32
      %parallel_loop3A_89 = arith.constant 4 : i32
      %parallel_loop3A_90 = arith.addi %parallel_loop3A_88, %parallel_loop3A_89 : i32
      %parallel_loop3A_91 = arith.constant 0 : i32
      %parallel_loop3A_92 = tpu.memref_slice %arg4[%parallel_loop3A_90, %parallel_loop3A_91] : memref<16384x64xf32, #tpu.memory_space<hbm>> -> memref<1x64xf32, #tpu.memory_space<hbm>>
      %parallel_loop3A_93 = tpu.memref_squeeze %parallel_loop3A_92 : memref<1x64xf32, #tpu.memory_space<hbm>> -> memref<64xf32, #tpu.memory_space<hbm>>
      %parallel_loop3A_94 = arith.constant 0 : i32
      %parallel_loop3A_95 = tpu.memref_slice %arg2[%parallel_loop3A_85, %parallel_loop3A_94] : memref<1000000x64xf32, #tpu.memory_space<hbm>> -> memref<1x64xf32, #tpu.memory_space<hbm>>
      %parallel_loop3A_96 = tpu.memref_squeeze %parallel_loop3A_95 : memref<1x64xf32, #tpu.memory_space<hbm>> -> memref<64xf32, #tpu.memory_space<hbm>>
      tpu.enqueue_dma source(%parallel_loop3A_96 : memref<64xf32, #tpu.memory_space<hbm>>) target(%parallel_loop3A_93 : memref<64xf32, #tpu.memory_space<hbm>>) target_semaphore(%arg8 : memref<!tpu.dma_semaphore, #tpu.memory_space<semaphore_mem>>)
      %parallel_loop3A_97 = vector.extract_strided_slice %parallel_loop3A_31 {offsets = [5], sizes = [1], strides = [1]} : vector<16xi32> to vector<1xi32>
      %parallel_loop3A_98 = vector.extract %parallel_loop3A_97[0] : i32 from vector<1xi32>
      %parallel_loop3A_99 = arith.constant 16 : i32
      %parallel_loop3A_100 = arith.muli %parallel_loop3A_26, %parallel_loop3A_99 : i32
      %parallel_loop3A_101 = arith.addi %mul3A_2, %parallel_loop3A_100 : i32
      %parallel_loop3A_102 = arith.constant 5 : i32
      %parallel_loop3A_103 = arith.addi %parallel_loop3A_101, %parallel_loop3A_102 : i32
      %parallel_loop3A_104 = arith.constant 0 : i32
      %parallel_loop3A_105 = tpu.memref_slice %arg4[%parallel_loop3A_103, %parallel_loop3A_104] : memref<16384x64xf32, #tpu.memory_space<hbm>> -> memref<1x64xf32, #tpu.memory_space<hbm>>
      %parallel_loop3A_106 = tpu.memref_squeeze %parallel_loop3A_105 : memref<1x64xf32, #tpu.memory_space<hbm>> -> memref<64xf32, #tpu.memory_space<hbm>>
      %parallel_loop3A_107 = arith.constant 0 : i32
      %parallel_loop3A_108 = tpu.memref_slice %arg2[%parallel_loop3A_98, %parallel_loop3A_107] : memref<1000000x64xf32, #tpu.memory_space<hbm>> -> memref<1x64xf32, #tpu.memory_space<hbm>>
      %parallel_loop3A_109 = tpu.memref_squeeze %parallel_loop3A_108 : memref<1x64xf32, #tpu.memory_space<hbm>> -> memref<64xf32, #tpu.memory_space<hbm>>
      tpu.enqueue_dma source(%parallel_loop3A_109 : memref<64xf32, #tpu.memory_space<hbm>>) target(%parallel_loop3A_106 : memref<64xf32, #tpu.memory_space<hbm>>) target_semaphore(%arg8 : memref<!tpu.dma_semaphore, #tpu.memory_space<semaphore_mem>>)
      %parallel_loop3A_110 = vector.extract_strided_slice %parallel_loop3A_31 {offsets = [6], sizes = [1], strides = [1]} : vector<16xi32> to vector<1xi32>
      %parallel_loop3A_111 = vector.extract %parallel_loop3A_110[0] : i32 from vector<1xi32>
      %parallel_loop3A_112 = arith.constant 16 : i32
      %parallel_loop3A_113 = arith.muli %parallel_loop3A_26, %parallel_loop3A_112 : i32
      %parallel_loop3A_114 = arith.addi %mul3A_2, %parallel_loop3A_113 : i32
      %parallel_loop3A_115 = arith.constant 6 : i32
      %parallel_loop3A_116 = arith.addi %parallel_loop3A_114, %parallel_loop3A_115 : i32
      %parallel_loop3A_117 = arith.constant 0 : i32
      %parallel_loop3A_118 = tpu.memref_slice %arg4[%parallel_loop3A_116, %parallel_loop3A_117] : memref<16384x64xf32, #tpu.memory_space<hbm>> -> memref<1x64xf32, #tpu.memory_space<hbm>>
      %parallel_loop3A_119 = tpu.memref_squeeze %parallel_loop3A_118 : memref<1x64xf32, #tpu.memory_space<hbm>> -> memref<64xf32, #tpu.memory_space<hbm>>
      %parallel_loop3A_120 = arith.constant 0 : i32
      %parallel_loop3A_121 = tpu.memref_slice %arg2[%parallel_loop3A_111, %parallel_loop3A_120] : memref<1000000x64xf32, #tpu.memory_space<hbm>> -> memref<1x64xf32, #tpu.memory_space<hbm>>
      %parallel_loop3A_122 = tpu.memref_squeeze %parallel_loop3A_121 : memref<1x64xf32, #tpu.memory_space<hbm>> -> memref<64xf32, #tpu.memory_space<hbm>>
      tpu.enqueue_dma source(%parallel_loop3A_122 : memref<64xf32, #tpu.memory_space<hbm>>) target(%parallel_loop3A_119 : memref<64xf32, #tpu.memory_space<hbm>>) target_semaphore(%arg8 : memref<!tpu.dma_semaphore, #tpu.memory_space<semaphore_mem>>)
      %parallel_loop3A_123 = vector.extract_strided_slice %parallel_loop3A_31 {offsets = [7], sizes = [1], strides = [1]} : vector<16xi32> to vector<1xi32>
      %parallel_loop3A_124 = vector.extract %parallel_loop3A_123[0] : i32 from vector<1xi32>
      %parallel_loop3A_125 = arith.constant 16 : i32
      %parallel_loop3A_126 = arith.muli %parallel_loop3A_26, %parallel_loop3A_125 : i32
      %parallel_loop3A_127 = arith.addi %mul3A_2, %parallel_loop3A_126 : i32
      %parallel_loop3A_128 = arith.constant 7 : i32
      %parallel_loop3A_129 = arith.addi %parallel_loop3A_127, %parallel_loop3A_128 : i32
      %parallel_loop3A_130 = arith.constant 0 : i32
      %parallel_loop3A_131 = tpu.memref_slice %arg4[%parallel_loop3A_129, %parallel_loop3A_130] : memref<16384x64xf32, #tpu.memory_space<hbm>> -> memref<1x64xf32, #tpu.memory_space<hbm>>
      %parallel_loop3A_132 = tpu.memref_squeeze %parallel_loop3A_131 : memref<1x64xf32, #tpu.memory_space<hbm>> -> memref<64xf32, #tpu.memory_space<hbm>>
      %parallel_loop3A_133 = arith.constant 0 : i32
      %parallel_loop3A_134 = tpu.memref_slice %arg2[%parallel_loop3A_124, %parallel_loop3A_133] : memref<1000000x64xf32, #tpu.memory_space<hbm>> -> memref<1x64xf32, #tpu.memory_space<hbm>>
      %parallel_loop3A_135 = tpu.memref_squeeze %parallel_loop3A_134 : memref<1x64xf32, #tpu.memory_space<hbm>> -> memref<64xf32, #tpu.memory_space<hbm>>
      tpu.enqueue_dma source(%parallel_loop3A_135 : memref<64xf32, #tpu.memory_space<hbm>>) target(%parallel_loop3A_132 : memref<64xf32, #tpu.memory_space<hbm>>) target_semaphore(%arg8 : memref<!tpu.dma_semaphore, #tpu.memory_space<semaphore_mem>>)
      %parallel_loop3A_136 = vector.extract_strided_slice %parallel_loop3A_31 {offsets = [8], sizes = [1], strides = [1]} : vector<16xi32> to vector<1xi32>
      %parallel_loop3A_137 = vector.extract %parallel_loop3A_136[0] : i32 from vector<1xi32>
      %parallel_loop3A_138 = arith.constant 16 : i32
      %parallel_loop3A_139 = arith.muli %parallel_loop3A_26, %parallel_loop3A_138 : i32
      %parallel_loop3A_140 = arith.addi %mul3A_2, %parallel_loop3A_139 : i32
      %parallel_loop3A_141 = arith.constant 8 : i32
      %parallel_loop3A_142 = arith.addi %parallel_loop3A_140, %parallel_loop3A_141 : i32
      %parallel_loop3A_143 = arith.constant 0 : i32
      %parallel_loop3A_144 = tpu.memref_slice %arg4[%parallel_loop3A_142, %parallel_loop3A_143] : memref<16384x64xf32, #tpu.memory_space<hbm>> -> memref<1x64xf32, #tpu.memory_space<hbm>>
      %parallel_loop3A_145 = tpu.memref_squeeze %parallel_loop3A_144 : memref<1x64xf32, #tpu.memory_space<hbm>> -> memref<64xf32, #tpu.memory_space<hbm>>
      %parallel_loop3A_146 = arith.constant 0 : i32
      %parallel_loop3A_147 = tpu.memref_slice %arg2[%parallel_loop3A_137, %parallel_loop3A_146] : memref<1000000x64xf32, #tpu.memory_space<hbm>> -> memref<1x64xf32, #tpu.memory_space<hbm>>
      %parallel_loop3A_148 = tpu.memref_squeeze %parallel_loop3A_147 : memref<1x64xf32, #tpu.memory_space<hbm>> -> memref<64xf32, #tpu.memory_space<hbm>>
      tpu.enqueue_dma source(%parallel_loop3A_148 : memref<64xf32, #tpu.memory_space<hbm>>) target(%parallel_loop3A_145 : memref<64xf32, #tpu.memory_space<hbm>>) target_semaphore(%arg8 : memref<!tpu.dma_semaphore, #tpu.memory_space<semaphore_mem>>)
      %parallel_loop3A_149 = vector.extract_strided_slice %parallel_loop3A_31 {offsets = [9], sizes = [1], strides = [1]} : vector<16xi32> to vector<1xi32>
      %parallel_loop3A_150 = vector.extract %parallel_loop3A_149[0] : i32 from vector<1xi32>
      %parallel_loop3A_151 = arith.constant 16 : i32
      %parallel_loop3A_152 = arith.muli %parallel_loop3A_26, %parallel_loop3A_151 : i32
      %parallel_loop3A_153 = arith.addi %mul3A_2, %parallel_loop3A_152 : i32
      %parallel_loop3A_154 = arith.constant 9 : i32
      %parallel_loop3A_155 = arith.addi %parallel_loop3A_153, %parallel_loop3A_154 : i32
      %parallel_loop3A_156 = arith.constant 0 : i32
      %parallel_loop3A_157 = tpu.memref_slice %arg4[%parallel_loop3A_155, %parallel_loop3A_156] : memref<16384x64xf32, #tpu.memory_space<hbm>> -> memref<1x64xf32, #tpu.memory_space<hbm>>
      %parallel_loop3A_158 = tpu.memref_squeeze %parallel_loop3A_157 : memref<1x64xf32, #tpu.memory_space<hbm>> -> memref<64xf32, #tpu.memory_space<hbm>>
      %parallel_loop3A_159 = arith.constant 0 : i32
      %parallel_loop3A_160 = tpu.memref_slice %arg2[%parallel_loop3A_150, %parallel_loop3A_159] : memref<1000000x64xf32, #tpu.memory_space<hbm>> -> memref<1x64xf32, #tpu.memory_space<hbm>>
      %parallel_loop3A_161 = tpu.memref_squeeze %parallel_loop3A_160 : memref<1x64xf32, #tpu.memory_space<hbm>> -> memref<64xf32, #tpu.memory_space<hbm>>
      tpu.enqueue_dma source(%parallel_loop3A_161 : memref<64xf32, #tpu.memory_space<hbm>>) target(%parallel_loop3A_158 : memref<64xf32, #tpu.memory_space<hbm>>) target_semaphore(%arg8 : memref<!tpu.dma_semaphore, #tpu.memory_space<semaphore_mem>>)
      %parallel_loop3A_162 = vector.extract_strided_slice %parallel_loop3A_31 {offsets = [10], sizes = [1], strides = [1]} : vector<16xi32> to vector<1xi32>
      %parallel_loop3A_163 = vector.extract %parallel_loop3A_162[0] : i32 from vector<1xi32>
      %parallel_loop3A_164 = arith.constant 16 : i32
      %parallel_loop3A_165 = arith.muli %parallel_loop3A_26, %parallel_loop3A_164 : i32
      %parallel_loop3A_166 = arith.addi %mul3A_2, %parallel_loop3A_165 : i32
      %parallel_loop3A_167 = arith.constant 10 : i32
      %parallel_loop3A_168 = arith.addi %parallel_loop3A_166, %parallel_loop3A_167 : i32
      %parallel_loop3A_169 = arith.constant 0 : i32
      %parallel_loop3A_170 = tpu.memref_slice %arg4[%parallel_loop3A_168, %parallel_loop3A_169] : memref<16384x64xf32, #tpu.memory_space<hbm>> -> memref<1x64xf32, #tpu.memory_space<hbm>>
      %parallel_loop3A_171 = tpu.memref_squeeze %parallel_loop3A_170 : memref<1x64xf32, #tpu.memory_space<hbm>> -> memref<64xf32, #tpu.memory_space<hbm>>
      %parallel_loop3A_172 = arith.constant 0 : i32
      %parallel_loop3A_173 = tpu.memref_slice %arg2[%parallel_loop3A_163, %parallel_loop3A_172] : memref<1000000x64xf32, #tpu.memory_space<hbm>> -> memref<1x64xf32, #tpu.memory_space<hbm>>
      %parallel_loop3A_174 = tpu.memref_squeeze %parallel_loop3A_173 : memref<1x64xf32, #tpu.memory_space<hbm>> -> memref<64xf32, #tpu.memory_space<hbm>>
      tpu.enqueue_dma source(%parallel_loop3A_174 : memref<64xf32, #tpu.memory_space<hbm>>) target(%parallel_loop3A_171 : memref<64xf32, #tpu.memory_space<hbm>>) target_semaphore(%arg8 : memref<!tpu.dma_semaphore, #tpu.memory_space<semaphore_mem>>)
      %parallel_loop3A_175 = vector.extract_strided_slice %parallel_loop3A_31 {offsets = [11], sizes = [1], strides = [1]} : vector<16xi32> to vector<1xi32>
      %parallel_loop3A_176 = vector.extract %parallel_loop3A_175[0] : i32 from vector<1xi32>
      %parallel_loop3A_177 = arith.constant 16 : i32
      %parallel_loop3A_178 = arith.muli %parallel_loop3A_26, %parallel_loop3A_177 : i32
      %parallel_loop3A_179 = arith.addi %mul3A_2, %parallel_loop3A_178 : i32
      %parallel_loop3A_180 = arith.constant 11 : i32
      %parallel_loop3A_181 = arith.addi %parallel_loop3A_179, %parallel_loop3A_180 : i32
      %parallel_loop3A_182 = arith.constant 0 : i32
      %parallel_loop3A_183 = tpu.memref_slice %arg4[%parallel_loop3A_181, %parallel_loop3A_182] : memref<16384x64xf32, #tpu.memory_space<hbm>> -> memref<1x64xf32, #tpu.memory_space<hbm>>
      %parallel_loop3A_184 = tpu.memref_squeeze %parallel_loop3A_183 : memref<1x64xf32, #tpu.memory_space<hbm>> -> memref<64xf32, #tpu.memory_space<hbm>>
      %parallel_loop3A_185 = arith.constant 0 : i32
      %parallel_loop3A_186 = tpu.memref_slice %arg2[%parallel_loop3A_176, %parallel_loop3A_185] : memref<1000000x64xf32, #tpu.memory_space<hbm>> -> memref<1x64xf32, #tpu.memory_space<hbm>>
      %parallel_loop3A_187 = tpu.memref_squeeze %parallel_loop3A_186 : memref<1x64xf32, #tpu.memory_space<hbm>> -> memref<64xf32, #tpu.memory_space<hbm>>
      tpu.enqueue_dma source(%parallel_loop3A_187 : memref<64xf32, #tpu.memory_space<hbm>>) target(%parallel_loop3A_184 : memref<64xf32, #tpu.memory_space<hbm>>) target_semaphore(%arg8 : memref<!tpu.dma_semaphore, #tpu.memory_space<semaphore_mem>>)
      %parallel_loop3A_188 = vector.extract_strided_slice %parallel_loop3A_31 {offsets = [12], sizes = [1], strides = [1]} : vector<16xi32> to vector<1xi32>
      %parallel_loop3A_189 = vector.extract %parallel_loop3A_188[0] : i32 from vector<1xi32>
      %parallel_loop3A_190 = arith.constant 16 : i32
      %parallel_loop3A_191 = arith.muli %parallel_loop3A_26, %parallel_loop3A_190 : i32
      %parallel_loop3A_192 = arith.addi %mul3A_2, %parallel_loop3A_191 : i32
      %parallel_loop3A_193 = arith.constant 12 : i32
      %parallel_loop3A_194 = arith.addi %parallel_loop3A_192, %parallel_loop3A_193 : i32
      %parallel_loop3A_195 = arith.constant 0 : i32
      %parallel_loop3A_196 = tpu.memref_slice %arg4[%parallel_loop3A_194, %parallel_loop3A_195] : memref<16384x64xf32, #tpu.memory_space<hbm>> -> memref<1x64xf32, #tpu.memory_space<hbm>>
      %parallel_loop3A_197 = tpu.memref_squeeze %parallel_loop3A_196 : memref<1x64xf32, #tpu.memory_space<hbm>> -> memref<64xf32, #tpu.memory_space<hbm>>
      %parallel_loop3A_198 = arith.constant 0 : i32
      %parallel_loop3A_199 = tpu.memref_slice %arg2[%parallel_loop3A_189, %parallel_loop3A_198] : memref<1000000x64xf32, #tpu.memory_space<hbm>> -> memref<1x64xf32, #tpu.memory_space<hbm>>
      %parallel_loop3A_200 = tpu.memref_squeeze %parallel_loop3A_199 : memref<1x64xf32, #tpu.memory_space<hbm>> -> memref<64xf32, #tpu.memory_space<hbm>>
      tpu.enqueue_dma source(%parallel_loop3A_200 : memref<64xf32, #tpu.memory_space<hbm>>) target(%parallel_loop3A_197 : memref<64xf32, #tpu.memory_space<hbm>>) target_semaphore(%arg8 : memref<!tpu.dma_semaphore, #tpu.memory_space<semaphore_mem>>)
      %parallel_loop3A_201 = vector.extract_strided_slice %parallel_loop3A_31 {offsets = [13], sizes = [1], strides = [1]} : vector<16xi32> to vector<1xi32>
      %parallel_loop3A_202 = vector.extract %parallel_loop3A_201[0] : i32 from vector<1xi32>
      %parallel_loop3A_203 = arith.constant 16 : i32
      %parallel_loop3A_204 = arith.muli %parallel_loop3A_26, %parallel_loop3A_203 : i32
      %parallel_loop3A_205 = arith.addi %mul3A_2, %parallel_loop3A_204 : i32
      %parallel_loop3A_206 = arith.constant 13 : i32
      %parallel_loop3A_207 = arith.addi %parallel_loop3A_205, %parallel_loop3A_206 : i32
      %parallel_loop3A_208 = arith.constant 0 : i32
      %parallel_loop3A_209 = tpu.memref_slice %arg4[%parallel_loop3A_207, %parallel_loop3A_208] : memref<16384x64xf32, #tpu.memory_space<hbm>> -> memref<1x64xf32, #tpu.memory_space<hbm>>
      %parallel_loop3A_210 = tpu.memref_squeeze %parallel_loop3A_209 : memref<1x64xf32, #tpu.memory_space<hbm>> -> memref<64xf32, #tpu.memory_space<hbm>>
      %parallel_loop3A_211 = arith.constant 0 : i32
      %parallel_loop3A_212 = tpu.memref_slice %arg2[%parallel_loop3A_202, %parallel_loop3A_211] : memref<1000000x64xf32, #tpu.memory_space<hbm>> -> memref<1x64xf32, #tpu.memory_space<hbm>>
      %parallel_loop3A_213 = tpu.memref_squeeze %parallel_loop3A_212 : memref<1x64xf32, #tpu.memory_space<hbm>> -> memref<64xf32, #tpu.memory_space<hbm>>
      tpu.enqueue_dma source(%parallel_loop3A_213 : memref<64xf32, #tpu.memory_space<hbm>>) target(%parallel_loop3A_210 : memref<64xf32, #tpu.memory_space<hbm>>) target_semaphore(%arg8 : memref<!tpu.dma_semaphore, #tpu.memory_space<semaphore_mem>>)
      %parallel_loop3A_214 = vector.extract_strided_slice %parallel_loop3A_31 {offsets = [14], sizes = [1], strides = [1]} : vector<16xi32> to vector<1xi32>
      %parallel_loop3A_215 = vector.extract %parallel_loop3A_214[0] : i32 from vector<1xi32>
      %parallel_loop3A_216 = arith.constant 16 : i32
      %parallel_loop3A_217 = arith.muli %parallel_loop3A_26, %parallel_loop3A_216 : i32
      %parallel_loop3A_218 = arith.addi %mul3A_2, %parallel_loop3A_217 : i32
      %parallel_loop3A_219 = arith.constant 14 : i32
      %parallel_loop3A_220 = arith.addi %parallel_loop3A_218, %parallel_loop3A_219 : i32
      %parallel_loop3A_221 = arith.constant 0 : i32
      %parallel_loop3A_222 = tpu.memref_slice %arg4[%parallel_loop3A_220, %parallel_loop3A_221] : memref<16384x64xf32, #tpu.memory_space<hbm>> -> memref<1x64xf32, #tpu.memory_space<hbm>>
      %parallel_loop3A_223 = tpu.memref_squeeze %parallel_loop3A_222 : memref<1x64xf32, #tpu.memory_space<hbm>> -> memref<64xf32, #tpu.memory_space<hbm>>
      %parallel_loop3A_224 = arith.constant 0 : i32
      %parallel_loop3A_225 = tpu.memref_slice %arg2[%parallel_loop3A_215, %parallel_loop3A_224] : memref<1000000x64xf32, #tpu.memory_space<hbm>> -> memref<1x64xf32, #tpu.memory_space<hbm>>
      %parallel_loop3A_226 = tpu.memref_squeeze %parallel_loop3A_225 : memref<1x64xf32, #tpu.memory_space<hbm>> -> memref<64xf32, #tpu.memory_space<hbm>>
      tpu.enqueue_dma source(%parallel_loop3A_226 : memref<64xf32, #tpu.memory_space<hbm>>) target(%parallel_loop3A_223 : memref<64xf32, #tpu.memory_space<hbm>>) target_semaphore(%arg8 : memref<!tpu.dma_semaphore, #tpu.memory_space<semaphore_mem>>)
      %parallel_loop3A_227 = vector.extract_strided_slice %parallel_loop3A_31 {offsets = [15], sizes = [1], strides = [1]} : vector<16xi32> to vector<1xi32>
      %parallel_loop3A_228 = vector.extract %parallel_loop3A_227[0] : i32 from vector<1xi32>
      %parallel_loop3A_229 = arith.constant 16 : i32
      %parallel_loop3A_230 = arith.muli %parallel_loop3A_26, %parallel_loop3A_229 : i32
      %parallel_loop3A_231 = arith.addi %mul3A_2, %parallel_loop3A_230 : i32
      %parallel_loop3A_232 = arith.constant 15 : i32
      %parallel_loop3A_233 = arith.addi %parallel_loop3A_231, %parallel_loop3A_232 : i32
      %parallel_loop3A_234 = arith.constant 0 : i32
      %parallel_loop3A_235 = tpu.memref_slice %arg4[%parallel_loop3A_233, %parallel_loop3A_234] : memref<16384x64xf32, #tpu.memory_space<hbm>> -> memref<1x64xf32, #tpu.memory_space<hbm>>
      %parallel_loop3A_236 = tpu.memref_squeeze %parallel_loop3A_235 : memref<1x64xf32, #tpu.memory_space<hbm>> -> memref<64xf32, #tpu.memory_space<hbm>>
      %parallel_loop3A_237 = arith.constant 0 : i32
      %parallel_loop3A_238 = tpu.memref_slice %arg2[%parallel_loop3A_228, %parallel_loop3A_237] : memref<1000000x64xf32, #tpu.memory_space<hbm>> -> memref<1x64xf32, #tpu.memory_space<hbm>>
      %parallel_loop3A_239 = tpu.memref_squeeze %parallel_loop3A_238 : memref<1x64xf32, #tpu.memory_space<hbm>> -> memref<64xf32, #tpu.memory_space<hbm>>
      tpu.enqueue_dma source(%parallel_loop3A_239 : memref<64xf32, #tpu.memory_space<hbm>>) target(%parallel_loop3A_236 : memref<64xf32, #tpu.memory_space<hbm>>) target_semaphore(%arg8 : memref<!tpu.dma_semaphore, #tpu.memory_space<semaphore_mem>>)
    } {sc.loop_unroll_factor = 2 : i64, sc.parallel_access}
    %dma_wait3A = arith.constant 0 : i32
    %dma_wait3A_8 = arith.constant 0 : i32
    %dma_wait3A_9 = tpu.memref_slice %arg6[%dma_wait3A, %dma_wait3A_8] : memref<512x64xf32, #tpu.memory_space<vmem>> -> memref<368x64xf32, #tpu.memory_space<vmem>>
    %dma_wait3A_10 = arith.constant 0 : i32
    %dma_wait3A_11 = arith.constant 0 : i32
    %dma_wait3A_12 = tpu.memref_slice %arg2[%dma_wait3A_10, %dma_wait3A_11] : memref<1000000x64xf32, #tpu.memory_space<hbm>> -> memref<368x64xf32, #tpu.memory_space<hbm>>
    %dma_wait3A_13 = arith.constant 0 : i32
    %dma_wait3A_14 = arith.constant 0 : i32
    %dma_wait3A_15 = tpu.memref_slice %arg6[%dma_wait3A_13, %dma_wait3A_14] : memref<512x64xf32, #tpu.memory_space<vmem>> -> memref<368x64xf32, #tpu.memory_space<vmem>>
    %dma_wait3A_16 = arith.constant 0 : i32
    %dma_wait3A_17 = arith.constant 0 : i32
    %dma_wait3A_18 = tpu.memref_slice %arg2[%dma_wait3A_16, %dma_wait3A_17] : memref<1000000x64xf32, #tpu.memory_space<hbm>> -> memref<368x64xf32, #tpu.memory_space<hbm>>
    tpu.wait_dma2 semaphore(%arg7 : memref<!tpu.dma_semaphore, #tpu.memory_space<semaphore_mem>>) src(%dma_wait3A_18 : memref<368x64xf32, #tpu.memory_space<hbm>>) dst(%dma_wait3A_15 : memref<368x64xf32, #tpu.memory_space<vmem>>)
    "tpu.region"() ({
      %run_scoped3A = tpu.sem_alloc : memref<!tpu.dma_semaphore, #tpu.memory_space<semaphore_mem>>
      %dma_start3A = arith.constant 0 : i32
      %dma_start3A_26 = arith.constant 0 : i32
      %dma_start3A_27 = tpu.memref_slice %arg6[%dma_start3A, %dma_start3A_26] : memref<512x64xf32, #tpu.memory_space<vmem>> -> memref<368x64xf32, #tpu.memory_space<vmem>>
      %dma_start3A_28 = arith.constant 0 : i32
      %dma_start3A_29 = tpu.memref_slice %arg4[%mul3A_2, %dma_start3A_28] : memref<16384x64xf32, #tpu.memory_space<hbm>> -> memref<368x64xf32, #tpu.memory_space<hbm>>
      %dma_start3A_30 = arith.constant 0 : i32
      %dma_start3A_31 = tpu.memref_slice %arg4[%mul3A_2, %dma_start3A_30] : memref<16384x64xf32, #tpu.memory_space<hbm>> -> memref<368x64xf32, #tpu.memory_space<hbm>>
      %dma_start3A_32 = arith.constant 0 : i32
      %dma_start3A_33 = arith.constant 0 : i32
      %dma_start3A_34 = tpu.memref_slice %arg6[%dma_start3A_32, %dma_start3A_33] : memref<512x64xf32, #tpu.memory_space<vmem>> -> memref<368x64xf32, #tpu.memory_space<vmem>>
      tpu.enqueue_dma source(%dma_start3A_34 : memref<368x64xf32, #tpu.memory_space<vmem>>) target(%dma_start3A_31 : memref<368x64xf32, #tpu.memory_space<hbm>>) target_semaphore(%run_scoped3A : memref<!tpu.dma_semaphore, #tpu.memory_space<semaphore_mem>>)
      %dma_wait3A_35 = arith.constant 0 : i32
      %dma_wait3A_36 = arith.constant 0 : i32
      %dma_wait3A_37 = tpu.memref_slice %arg6[%dma_wait3A_35, %dma_wait3A_36] : memref<512x64xf32, #tpu.memory_space<vmem>> -> memref<368x64xf32, #tpu.memory_space<vmem>>
      %dma_wait3A_38 = arith.constant 0 : i32
      %dma_wait3A_39 = tpu.memref_slice %arg4[%mul3A_2, %dma_wait3A_38] : memref<16384x64xf32, #tpu.memory_space<hbm>> -> memref<368x64xf32, #tpu.memory_space<hbm>>
      %dma_wait3A_40 = arith.constant 0 : i32
      %dma_wait3A_41 = tpu.memref_slice %arg4[%mul3A_2, %dma_wait3A_40] : memref<16384x64xf32, #tpu.memory_space<hbm>> -> memref<368x64xf32, #tpu.memory_space<hbm>>
      %dma_wait3A_42 = arith.constant 0 : i32
      %dma_wait3A_43 = arith.constant 0 : i32
      %dma_wait3A_44 = tpu.memref_slice %arg6[%dma_wait3A_42, %dma_wait3A_43] : memref<512x64xf32, #tpu.memory_space<vmem>> -> memref<368x64xf32, #tpu.memory_space<vmem>>
      tpu.wait_dma2 semaphore(%run_scoped3A : memref<!tpu.dma_semaphore, #tpu.memory_space<semaphore_mem>>) src(%dma_wait3A_44 : memref<368x64xf32, #tpu.memory_space<vmem>>) dst(%dma_wait3A_41 : memref<368x64xf32, #tpu.memory_space<hbm>>)
      tpu.yield
    }) : () -> ()
    %add3A_19 = arith.constant 368 : i32
    %add3A_20 = arith.addi %mul3A_2, %add3A_19 : i32
    %dma_wait3A_21 = arith.constant 0 : i32
    %dma_wait3A_22 = tpu.memref_slice %arg4[%add3A_20, %dma_wait3A_21] : memref<16384x64xf32, #tpu.memory_space<hbm>> -> memref<144x64xf32, #tpu.memory_space<hbm>>
    %dma_wait3A_23 = arith.constant 0 : i32
    %dma_wait3A_24 = arith.constant 0 : i32
    %dma_wait3A_25 = tpu.memref_slice %arg2[%dma_wait3A_23, %dma_wait3A_24] : memref<1000000x64xf32, #tpu.memory_space<hbm>> -> memref<144x64xf32, #tpu.memory_space<hbm>>
    tpu.wait_dma2 semaphore(%arg8 : memref<!tpu.dma_semaphore, #tpu.memory_space<semaphore_mem>>) src(%dma_wait3A_25 : memref<144x64xf32, #tpu.memory_space<hbm>>) dst(%dma_wait3A_22 : memref<144x64xf32, #tpu.memory_space<hbm>>)
    return
  }
}

</mosaic_0001>

<sc_bundles>
// kernel: kernel.3.cloned.1.call-start
scs
__scs_entry_jumppad:
0x0: {  	(pc) =	sbr.rel $0x88, $3  }
0x1: {  	(tag) =	ssettag $0x0;
	lr =	simm.s32 $0x1  }
0x2: {  	[smem:$0x3F9F] =	sst lr;
	_ =	strace $0xD0000000  }
0x3: {  	_ = 	snop  }
0x4: {  	_ = 	snop  }
0x5: {  	_ = 	snop  }
0x6: {  	_ = 	snop  }
0x7: {  	_ = 	snop  }
__scs_overlays_trampoline_lowered:
0x8: {  	[smem:$0x3FAE] =	sst s0  }
0x9: {  	[smem:$0x3FAF] =	sst s1  }
0xa: {  	[smem:$0x3FB0] =	sst s2  }
0xb: {  	[smem:$0x3FB1] =	sst s3  }
0xc: {  	[smem:$0x3FB2] =	sst s4  }
0xd: {  	[smem:$0x3FB3] =	sst s5  }
0xe: {  	[smem:$0x3FB4] =	sst s6  }
0xf: {  	[smem:$0x3FB5] =	sst s7  }
0x10: {  	[smem:$0x3FB6] =	sst s8  }
0x11: {  	[smem:$0x3FB7] =	sst s9;
	s0 =	simm.s32 @!p0 $0x0  }
0x12: {  	s1 =	sld [smem:$0x3F9D];
	s0 =	simm.s32 @p0 $0x1  }
0x13: {  	[smem:$0x3FB8] =	sst s0;
	s0 =	simm.s32 @!p1 $0x0  }
0x14: {  	s2 =	sld [smem:$0x3F9C];
	s0 =	simm.s32 @p1 $0x1  }
0x15: {  	[smem:$0x3FB9] =	sst s0;
	s0 =	simm.s32 @!p2 $0x0  }
0x16: {  	s3 =	sld [smem:$0x3FDB];
	s0 =	simm.s32 @p2 $0x1  }
0x17: {  	s4 =	simm.s32 $0x1BF5;
	[smem:$0x3FBB] =	sst s0  }
0x18: {  	s0 =	sld [smem:$0x3F9E];
	_ =	swait.ge [sflag:s4], $0x0  }
0x19: {  	s7 =	sld [smem:$0x3F9F]  }
0x1a: {  	s8 =	sadd.s32 $0xFFFFE003, lr  }
0x1b: {  	s9 =	sadd.s32 $0xFFFFFEF7, lr;
	s5 =	simm.s32 $0xFFFFFFFF;
	p2 =	slt.u32 s8, $0xFFFFF086  }
0x1c: {  	p1 =	slt.u32 s9, $0xF7A;
	s5 =	simm.s32 @!p2 $0x0  }
0x1d: {  	s5 =	simm.s32 @p1 $0x1;
	p0 =	seq.s32 s7, s2  }
0x1e: {  	s7 =	smul.u32 @!p0 $0xF7A, s2;
	p2 =	seq.s32 @!p0 s5, $0x0  }
0x1f: {  	s9 =	smul.u32 $0xF7A, s1;
	s8 =	simm.s32 @!p0 $0x1BF5;
	p2 =	por !p2, p0  }
0x20: {  	[sflag:s8] =	ssyncset.s32 @!p0 $0xFFFFF086;
	s6 =	sadd.s32 @!p0 s3, s7;
	s7 =	simm.s32 @!p0 $0x108  }
0x21: {  	s3 =	sadd.s32 s3, s9;
	s6 =	sadd.s32 @!p0 $0x88, s6;
	s7 =	simm.s32 @p2 $0x1082  }
0x22: {  	[simem:s7], [sflag:s8] =	dma.local @!p0 [hbm:s6], $0xF7A  }
0x23: {  	s9 =	sor.u32 $0xD0000000, s2;
	s6 =	simm.s32 $0x108;
	_ =	swait.ge @!p0 [sflag:s8], $0x0  }
0x24: {  	s3 =	sadd.s32 $0x88, s3;
	s6 =	simm.s32 @!p1 $0x1082;
	[sflag:s4] =	ssyncset.s32 $0xFFFFF086  }
0x25: {  	[simem:s6], [sflag:s4] =	dma.local [hbm:s3], $0xF7A  }
0x26: {  	[smem:$0x3F9F] =	sst s1;
	(tag) =	ssettag s2;
	_ =	strace s9  }
0x27: {  	s1 =	sld [smem:$0x3FAF]  }
0x28: {  	s2 =	sld [smem:$0x3FB0]  }
0x29: {  	s4 =	sld [smem:$0x3FB2]  }
0x2a: {  	p0 =	seq.s32 s5, $0x0;
	s5 =	sld [smem:$0x3FB3]  }
0x2b: {  	s6 =	sld [smem:$0x3FB4]  }
0x2c: {  	s7 =	sld [smem:$0x3FB5]  }
0x2d: {  	s3 =	simm.s32 $0x108;
	s8 =	sld [smem:$0x3FB6]  }
0x2e: {  	s3 =	simm.s32 @!p0 $0x1082;
	s9 =	sld [smem:$0x3FB7]  }
0x2f: {  	lr =	sadd.s32 s0, s3;
	s0 =	sld [smem:$0x3FAE]  }
0x30: {  	s3 =	sld [smem:$0x3FB1]  }
0x31: {  	[smem:$0x3FBA] =	sst s10  }
0x32: {  	s10 =	sld [smem:$0x3FB8];
	_ =	sdelay $0x3  }
0x33: {  	p0 =	seq.s32 s10, $0x1;
	s10 =	sld [smem:$0x3FBA];
	_ =	sdelay $0x3  }
0x34: {  	[smem:$0x3FBA] =	sst s10  }
0x35: {  	s10 =	sld [smem:$0x3FB9];
	_ =	sdelay $0x3  }
0x36: {  	p1 =	seq.s32 s10, $0x1;
	s10 =	sld [smem:$0x3FBA];
	_ =	sdelay $0x3  }
0x37: {  	[smem:$0x3FBA] =	sst s10  }
0x38: {  	s10 =	sld [smem:$0x3FBB]  }
0x39: {  	_ = 	snop;
	(pc) =	sbr.ind lr, $3  }
0x3a: {  	_ = 	snop  }
0x3b: {  	_ = 	snop  }
0x3c: {  	p2 =	seq.s32 s10, $0x1;
	s10 =	sld [smem:$0x3FBA]  }
0x3d: {  	_ =	shalt  }
0x3e: {  	_ =	shalt  }
0x3f: {  	_ =	shalt  }
0x40: {  	_ =	shalt  }
0x41: {  	_ =	shalt  }
0x42: {  	_ =	shalt  }
0x43: {  	_ =	shalt  }
0x44: {  	_ =	shalt  }
0x45: {  	_ =	shalt  }
0x46: {  	_ =	shalt  }
0x47: {  	_ =	shalt  }
0x48: {  	_ =	shalt  }
0x49: {  	_ =	shalt  }
0x4a: {  	_ =	shalt  }
0x4b: {  	_ =	shalt  }
0x4c: {  	_ =	shalt  }
0x4d: {  	_ =	shalt  }
0x4e: {  	_ =	shalt  }
0x4f: {  	_ =	shalt  }
0x50: {  	_ =	shalt  }
0x51: {  	_ =	shalt  }
0x52: {  	_ =	shalt  }
0x53: {  	_ =	shalt  }
0x54: {  	_ =	shalt  }
0x55: {  	_ =	shalt  }
0x56: {  	_ =	shalt  }
0x57: {  	_ =	shalt  }
0x58: {  	_ =	shalt  }
0x59: {  	_ =	shalt  }
0x5a: {  	_ =	shalt  }
0x5b: {  	_ =	shalt  }
0x5c: {  	_ =	shalt  }
0x5d: {  	_ =	shalt  }
0x5e: {  	_ =	shalt  }
0x5f: {  	_ =	shalt  }
0x60: {  	_ =	shalt  }
0x61: {  	_ =	shalt  }
0x62: {  	_ =	shalt  }
0x63: {  	_ =	shalt  }
0x64: {  	_ =	shalt  }
0x65: {  	_ =	shalt  }
0x66: {  	_ =	shalt  }
0x67: {  	_ =	shalt  }
0x68: {  	_ =	shalt  }
0x69: {  	_ =	shalt  }
0x6a: {  	_ =	shalt  }
0x6b: {  	_ =	shalt  }
0x6c: {  	_ =	shalt  }
0x6d: {  	_ =	shalt  }
0x6e: {  	_ =	shalt  }
0x6f: {  	_ =	shalt  }
0x70: {  	_ =	shalt  }
0x71: {  	_ =	shalt  }
0x72: {  	_ =	shalt  }
0x73: {  	_ =	shalt  }
0x74: {  	_ =	shalt  }
0x75: {  	_ =	shalt  }
0x76: {  	_ =	shalt  }
0x77: {  	_ =	shalt  }
0x78: {  	_ =	shalt  }
0x79: {  	_ =	shalt  }
0x7a: {  	_ =	shalt  }
0x7b: {  	_ =	shalt  }
0x7c: {  	_ =	shalt  }
0x7d: {  	_ =	shalt  }
0x7e: {  	_ =	shalt  }
0x7f: {  	_ =	shalt  }
0x80: {  	_ =	shalt  }
0x81: {  	_ =	shalt  }
0x82: {  	_ =	shalt  }
0x83: {  	_ =	shalt  }
0x84: {  	_ =	shalt  }
0x85: {  	_ =	shalt  }
0x86: {  	_ =	shalt  }
0x87: {  	_ =	shalt  }
.Lfunc_end0:
.L_simem_size_0:
called_computation_lowered:
.L_overlay_start_0:
0x88: {  	s2 =	sld [smem:$0x3FD9]  }
0x89: {  	s3 =	sld [smem:$0x3FFE];
	_ =	sdelay $0x1  }
0x8a: {  	s1 =	srdreg.scid  }
0x8b: {  	s0 =	sand.u32 $0x1, s1  }
0x8c: {  	s17 =	sshll.u32 s0, $0xA;
	s2 =	sadd.s32 s3, s2  }
0x8d: {  	s2 =	sadd.s32 s2, s17  }
0x8e: {  	[smem:$0x3FC6] =	sst s2  }
0x8f: {  	_ = 	snop  }
0x90: {  	s2 =	sld [smem:$0x3FC8];
	(tm) =	ssettm $0x1  }
0x91: {  	s18 =	sld [smem:$0x3FFB];
	_ =	sdelay $0x3  }
0x92: {  	_ =	strace s18  }
0x93: {  	s3 =	sld [smem:$0x3FFC];
	_ =	sdelay $0x3  }
0x94: {  	_ =	strace s3  }
0x95: {  	s3 =	sld [smem:$0x3FFD];
	_ =	sdelay $0x3  }
0x96: {  	_ =	strace s3  }
0x97: {  	_ =	strace $0x8FFFFFFF  }
0x98: {  	s19 =	sld [smem:$0x3FDB];
	_ =	sdelay $0x1  }
0x99: {  	s4 =	simm.s32 $_scs_section_size  }
0x9a: {  	s5 =	simm.s32 $_size__tile_overlayer_lowered;
	s6 =	simm.s32 $_tile_overlayer_lowered  }
0x9b: {  	s22 =	simm.s32 $0x1BFF;
	s21 =	sshll.u32 s6, $0x1;
	s3 =	sadd.s32 s4, s19  }
0x9c: {  	s7 =	simm.s32 $0x0;
	s20 =	sshll.u32 s5, $0x1;
	s5 =	sadd.s32 s21, s3  }
0x9d: {  	[timem:s7], [sflag:s22] =	dma.local [hbm:s5], s20  }
0x9e: {  	_ =	swait.ge [sflag:s22], s20  }
0x9f: {  	s4 =	ssub.s32 $0x0, s20;
	[sflag:s22] =	ssyncset.done $0x0  }
0xa0: {  	[sflag:s22] =	ssyncadd.s32 s4;
	_ =	sdelay $0x1  }
0xa1: {  	s23 =	simm.s32 $0x1B8B  }
0xa2: {  	_ =	swait.ge [sflag:s23], $0x1  }
0xa3: {  	[sflag:s23] =	ssyncset.done $0x0  }
0xa4: {  	s25 =	simm.s32 $0x1B8E;
	s24 =	sld [smem:$0x3FFE];
	[sflag:s23] =	ssyncadd.s32 $0xFFFFFFFF  }
0xa5: {  	s26 =	simm.s32 $execute0_lowered;
	[smem:$0x3FD2] =	sst s25  }
0xa6: {  	s5 =	sshll.u32 s26, $0x1;
	_ =	strace $0x80000046;
	[dreg:$0x1] =	wrdreg $0xFFFFFFFF  }
0xa7: {  	s28 =	simm.s32 $_size_execute0_lowered;
	s3 =	sadd.s32 s3, s5;
	[dreg:$0x0] =	wrdreg $0x0  }
0xa8: {  	s5 =	sshll.u32 s28, $0x1;
	[dreg:$0x2] =	wrdreg s3  }
0xa9: {  	[dreg:$0x3] =	wrdreg s5  }
0xaa: {  	[dreg:$0x4] =	wrdreg $0xC0  }
0xab: {  	_ =	task [dreg:s7], $0x5FFFF  }
0xac: {  	[dreg:$0x1] =	wrdreg $0xFFFFFFFF  }
0xad: {  	[dreg:$0x0] =	wrdreg $0x60  }
0xae: {  	[dreg:$0x2] =	wrdreg s24  }
0xaf: {  	[dreg:$0x3] =	wrdreg s2  }
0xb0: {  	[dreg:$0x4] =	wrdreg $0x9  }
0xb1: {  	_ =	task.clear_ibuf [dreg:s7], $0x5FFFF;
	_ =	strace $0x90000046  }
0xb2: {  	s29 =	simm.s32 $0x9;
	_ =	strace $0x80000048  }
0xb3: {  	_ =	swait.ge [sflag:s29], $0x1  }
0xb4: {  	[sflag:s29] =	ssyncadd.s32 $0xFFFFFFFF  }
0xb5: {  	_ =	strace $0x90000048  }
0xb6: {  	_ =	sfence  }
0xb7: {  	s30 =	sld [smem:$0x0];
	_ =	sdelay $0x2  }
0xb8: {  	s31 =	sshll.u32 s1, $0xD;
	s1 =	sshrl.u32 s1, $0x2  }
0xb9: {  	s3 =	sand.u32 $0x4000, s31;
	s1 =	sadd.s32 s1, s30  }
0xba: {  	s0 =	sor.u32 s3, s0;
	s1 =	sshll.u32 s1, $0x11  }
0xbb: {  	s0 =	sor.u32 s1, s0  }
0xbc: {  	s0 =	sadd.s32 $0x8F2B, s0  }
0xbd: {  	[sflag:s0] =	ssyncadd.remote.s32 $0x1  }
0xbe: {  	_ =	sfence.sel $0xFFFF  }
0xbf: {  	[dreg:$0x0] =	wrdreg $0xFFFFFFFF;
	(pc) =	sbr.abs _section_cstart, $3  }
0xc0: {  	[dreg:$0x1] =	wrdreg $0xFFFFFFFF  }
0xc1: {  	_ =	task.clear_ibuf [dreg:s7], $0x2FFFF;
	_ =	strace $0x9FFFFFFF  }
0xc2: {  	(tm) =	ssettm $0x7FFFFFFF  }
0xc3: {  	_ =	shalt  }
tec
execute0_lowered:
.L_overlay_start_1:
0x0: {  	(tag) =	ssettag $0x1  }
0x1: {  	s0 =	rddreg [dreg:$0x0]  }
0x2: {  	s1 =	rddreg [dreg:$0x1];
	s3 =	srdreg.scid  }
0x3: {  	s5 =	simm.s32 $0x0;
	s2 =	stileid.u32;
	s4 =	sand.u32 $0x1, s3  }
0x4: {  	[smem:$0x7FF] =	sst s5;
	s10 =	sshll.u32 s2, $0xA;
	s6 =	sshll.u32 s4, $0x9  }
0x5: {  	s3 =	sadd.s32 $0x400, s0;
	s0 =	sadd.s32 $0xF42800, s0;
	s5 =	sor.u32 s6, s10  }
0x6: {  	s11 =	ssub.s32 $0x2, s4;
	s7 =	sshll.u32 s5, $0x4;
	s5 =	sshrl.u32 s5, $0x3  }
0x7: {  	_ =	strace $0x80000047;
	s8 =	sshrl.u32 s11, $0x1;
	s1 =	sadd.s32 s1, s5  }
0x8: {  	s6 =	ssub.s32 s11, s8;
	s7 =	sadd.s32 s0, s7;
	[smem:$0x7EA] =	sst s1  }
0x9: {  	s31 =	smax.u32 s6, $0x1;
	[smem:$0x7FA] =	sst s7  }
0xa: {  	s12 =	sadd.s32 $0x1F00, s7;
	[smem:$0x7FC] =	sst s31  }
0xb: {  	s13 =	sadd.s32 $0x1F10, s7;
	[smem:$0x7EB] =	sst s12  }
0xc: {  	s14 =	sadd.s32 $0x1F20, s7;
	[smem:$0x7EC] =	sst s13  }
0xd: {  	s15 =	sadd.s32 $0x1F30, s7;
	[smem:$0x7ED] =	sst s14  }
0xe: {  	s16 =	sadd.s32 $0x1F40, s7;
	[smem:$0x7EE] =	sst s15  }
0xf: {  	s17 =	sadd.s32 $0x1F50, s7;
	[smem:$0x7EF] =	sst s16  }
0x10: {  	s18 =	sadd.s32 $0x1F60, s7;
	[smem:$0x7F0] =	sst s17  }
0x11: {  	s19 =	sadd.s32 $0x1F70, s7;
	[smem:$0x7F1] =	sst s18  }
0x12: {  	s20 =	sadd.s32 $0x1F80, s7;
	[smem:$0x7F2] =	sst s19  }
0x13: {  	s21 =	sadd.s32 $0x1F90, s7;
	[smem:$0x7F3] =	sst s20  }
0x14: {  	s22 =	sadd.s32 $0x1FA0, s7;
	[smem:$0x7F4] =	sst s21  }
0x15: {  	s23 =	sadd.s32 $0x1FB0, s7;
	[smem:$0x7F5] =	sst s22  }
0x16: {  	s24 =	sshll.u32 s2, $0xE;
	s25 =	sadd.s32 $0x1FC0, s7;
	[smem:$0x7F6] =	sst s23  }
0x17: {  	s26 =	sshll.u32 s4, $0xD;
	s28 =	sadd.s32 $0x1FD0, s7;
	[smem:$0x7F7] =	sst s25  }
0x18: {  	s0 =	sadd.s32 s24, s0;
	s29 =	sadd.s32 $0x1FE0, s7;
	[smem:$0x7F8] =	sst s28  }
0x19: {  	s0 =	sadd.s32 s26, s0;
	s30 =	sadd.s32 $0x1FF0, s7;
	[smem:$0x7F9] =	sst s29  }
0x1a: {  	s2 =	simm.s32 $0x0;
	[smem:$0x7FB] =	sst s30;
	s0 =	sadd.s32 $0x18F0, s0  }
0x1b: {  	s5 =	simm.s32 $0x0;
	s1 =	simm.s32 $0x3;
	[smem:$0x7FD] =	sst s0  }
.LBB2_1:
0x1c: {  	s0 =	sld [smem:$0x7EA];
	_ =	sdelay $0x1  }
0x1d: {  	[smem:$0x7E9] =	sst s5  }
0x1e: {  	[tilespmem:s2], [sflag:$0x3] =	stream.linear.gather [hbm4b:s0+s2], $0x200, $0x38;
	[tilespmem:$0x10200] =	vst v63  }
0x1f: {  	_ =	swait.ge [sflag:s1], $0x200  }
0x20: {  	[sflag:s1] =	ssyncset.done $0x0  }
0x21: {  	s15 =	simm.s32 $0x10;
	[sflag:s1] =	ssyncadd.s32 $0xFFFFFE00  }
0x22: {  	v0 =	vld [tilespmem:s15+$0xFFFFFFF0];
	_ =	sdelay $0x4  }
0x23: {  	v0 =	vshll.u32 v0, $0x4  }
0x24: {  	(v2sf) =	vpush v0, $0x0  }
0x25: {  	(v2sf) =	vpush v0, $0x1  }
0x26: {  	(v2sf) =	vpush v0, $0x2;
	_ =	sdelay $0x1  }
0x27: {  	(v2sf) =	vpush v0, $0x3  }
0x28: {  	(v2sf) =	vpush v0, $0x4;
	_ =	sdelay $0x1  }
0x29: {  	(v2sf) =	vpush v0, $0x5;
	_ =	sdelay $0x3  }
0x2a: {  	(v2sf) =	vpush v0, $0x6;
	_ =	sdelay $0x1  }
0x2b: {  	s4 =	simm.s32 $0x380;
	s6 =	simm.s32 $0x300  }
0x2c: {  	s8 =	simm.s32 $0x200;
	s18 =	simm.s32 $0x400;
	s5 =	simm.s32 $0x30  }
0x2d: {  	s21 =	simm.s32 $0x480;
	s23 =	simm.s32 $0x500;
	s7 =	spop (v2sf);
	(v2sf) =	vpush v0, $0x7  }
0x2e: {  	s26 =	simm.s32 $0x580;
	s7 =	sand.u32 $0x1FFFFFF0, s7;
	s9 =	spop (v2sf)  }
0x2f: {  	(v2sf) =	vpush v0, $0x8;
	s7 =	sadd.s32 s3, s7;
	s9 =	sand.u32 $0x1FFFFFF0, s9;
	s10 =	spop (v2sf)  }
0x30: {  	[tilespmem:s8], [sflag:$0x1] =	stream.linear.gather [hbm4b:s7+s2], $0x80, $0x38;
	[tilespmem:$0x10200] =	vst v63  }
0x31: {  	s8 =	sadd.s32 s3, s9;
	s9 =	sand.u32 $0x1FFFFFF0, s10;
	s10 =	spop (v2sf)  }
0x32: {  	s29 =	simm.s32 $0x600;
	s1 =	simm.s32 $0x280;
	(v2sf) =	vpush v0, $0x9;
	s13 =	spop (v2sf)  }
0x33: {  	[tilespmem:s1], [sflag:$0x1] =	stream.linear.gather [hbm4b:s8+s2], $0x80, $0x38;
	[tilespmem:$0x10200] =	vst v63  }
0x34: {  	s11 =	sadd.s32 s3, s9;
	s12 =	sand.u32 $0x1FFFFFF0, s10;
	s17 =	spop (v2sf);
	(v2sf) =	vpush v0, $0xA  }
0x35: {  	[tilespmem:s6], [sflag:$0x1] =	stream.linear.gather [hbm4b:s11+s2], $0x80, $0x38;
	[tilespmem:$0x10200] =	vst v63  }
0x36: {  	s0 =	simm.s32 $0xA00;
	s14 =	sadd.s32 s3, s12;
	s16 =	sand.u32 $0x1FFFFFF0, s13  }
0x37: {  	[tilespmem:s4], [sflag:$0x1] =	stream.linear.gather [hbm4b:s14+s2], $0x80, $0x38;
	[tilespmem:$0x10200] =	vst v63  }
0x38: {  	s19 =	sadd.s32 s3, s16;
	s20 =	sand.u32 $0x1FFFFFF0, s17;
	s22 =	spop (v2sf)  }
0x39: {  	[tilespmem:s18], [sflag:$0x1] =	stream.linear.gather [hbm4b:s19+s2], $0x80, $0x38;
	[tilespmem:$0x10200] =	vst v63  }
0x3a: {  	s7 =	simm.s32 $0x0;
	s6 =	sadd.s32 s3, s20;
	s4 =	sand.u32 $0x1FFFFFF0, s22  }
0x3b: {  	[tilespmem:s21], [sflag:$0x1] =	stream.linear.gather [hbm4b:s6+s2], $0x80, $0x38;
	[tilespmem:$0x10200] =	vst v63  }
0x3c: {  	s8 =	simm.s32 $0x780;
	s4 =	sadd.s32 s3, s4;
	s24 =	spop (v2sf)  }
0x3d: {  	[tilespmem:s23], [sflag:$0x1] =	stream.linear.gather [hbm4b:s4+s2], $0x80, $0x38;
	[tilespmem:$0x10200] =	vst v63  }
0x3e: {  	s12 =	simm.s32 $0x700;
	s9 =	sand.u32 $0x1FFFFFF0, s24;
	s25 =	spop (v2sf)  }
0x3f: {  	(v2sf) =	vpush v0, $0xB;
	s14 =	simm.s32 $0x680;
	s28 =	sadd.s32 s3, s9;
	s10 =	sand.u32 $0x1FFFFFF0, s25  }
0x40: {  	(v2sf) =	vpush v0, $0xC;
	[tilespmem:s26], [sflag:$0x1] =	stream.linear.gather [hbm4b:s28+s2], $0x80, $0x38;
	[tilespmem:$0x10200] =	vst v63  }
0x41: {  	s6 =	simm.s32 $0x880;
	(v2sf) =	vpush v0, $0xD;
	s31 =	spop (v2sf);
	s30 =	sadd.s32 s3, s10  }
0x42: {  	(v2sf) =	vpush v0, $0xE;
	[tilespmem:s29], [sflag:$0x1] =	stream.linear.gather [hbm4b:s30+s2], $0x80, $0x38;
	[tilespmem:$0x10200] =	vst v63  }
0x43: {  	s9 =	simm.s32 $0x800;
	(v2sf) =	vpush v0, $0xF;
	s4 =	sand.u32 $0x1FFFFFF0, s31;
	s10 =	spop (v2sf)  }
.LBB2_2:
0x44: {  	_ =	sdelay $0x5  }
0x45: {  	s4 =	sadd.s32 s3, s4;
	s10 =	sand.u32 $0x1FFFFFF0, s10  }
0x46: {  	v0 =	vld [tilespmem:s5+$0xFFFFFFF0];
	[tilespmem:s14], [sflag:$0x1] =	stream.linear.gather [hbm4b:s4+s2], $0x80, $0x38  }
0x47: {  	s10 =	sadd.s32 s3, s10  }
0x48: {  	[tilespmem:s12], [sflag:$0x1] =	stream.linear.gather [hbm4b:s10+s2], $0x80, $0x38;
	[tilespmem:$0x10200] =	vst v63  }
0x49: {  	s13 =	smov.u32 s15;
	s11 =	spop (v2sf)  }
0x4a: {  	s1 =	smov.u32 s5;
	s11 =	sand.u32 $0x1FFFFFF0, s11;
	s14 =	spop (v2sf)  }
0x4b: {  	s15 =	sadd.s32 s3, s11;
	s16 =	sand.u32 $0x1FFFFFF0, s14;
	s17 =	spop (v2sf)  }
0x4c: {  	v0 =	vshll.u32 v0, $0x4;
	[tilespmem:s8], [sflag:$0x1] =	stream.linear.gather [hbm4b:s15+s2], $0x80, $0x38;
	[tilespmem:$0x10200] =	vst v63  }
0x4d: {  	(v2sf) =	vpush v0, $0x0;
	s19 =	sadd.s32 s3, s16;
	s20 =	sand.u32 $0x1FFFFFF0, s17;
	s21 =	spop (v2sf)  }
0x4e: {  	(v2sf) =	vpush v0, $0x1;
	[tilespmem:s9], [sflag:$0x1] =	stream.linear.gather [hbm4b:s19+s2], $0x80, $0x38;
	[tilespmem:$0x10200] =	vst v63  }
0x4f: {  	(v2sf) =	vpush v0, $0x2;
	s22 =	sadd.s32 s3, s20;
	s23 =	sand.u32 $0x1FFFFFF0, s21;
	s24 =	spop (v2sf)  }
0x50: {  	[tilespmem:s6], [sflag:$0x1] =	stream.linear.gather [hbm4b:s22+s2], $0x80, $0x38;
	[tilespmem:$0x10200] =	vst v63  }
0x51: {  	s25 =	sadd.s32 $0xFFFFFF00, s0;
	(v2sf) =	vpush v0, $0x3;
	s26 =	sadd.s32 s3, s23;
	s28 =	sand.u32 $0x1FFFFFF0, s24  }
0x52: {  	[tilespmem:s25], [sflag:$0x1] =	stream.linear.gather [hbm4b:s26+s2], $0x80, $0x38;
	[tilespmem:$0x10200] =	vst v63  }
0x53: {  	s18 =	smov.u32 s0;
	s29 =	sadd.s32 $0xFFFFFF80, s0;
	(v2sf) =	vpush v0, $0x4;
	s30 =	sadd.s32 s3, s28  }
0x54: {  	[tilespmem:s29], [sflag:$0x1] =	stream.linear.gather [hbm4b:s30+s2], $0x80, $0x38;
	[tilespmem:$0x10200] =	vst v63  }
0x55: {  	s5 =	sadd.s32 $0x20, s5;
	s0 =	sadd.s32 $0x1000, s0;
	s7 =	sadd.s32 $0x2, s7;
	(v2sf) =	vpush v0, $0x5;
	v1 =	vld [tilespmem:s13+$0x0]  }
0x56: {  	[dreg:$0x10] =	wrdreg s1;
	s4 =	sadd.s32 $0x680, s18;
	p0 =	slt.u32 s7, $0x14  }
0x57: {  	s10 =	sadd.s32 $0x780, s18;
	s12 =	sadd.s32 $0xFFFFF980, s0;
	s11 =	sadd.s32 $0x700, s18  }
0x58: {  	s14 =	sadd.s32 $0xFFFFF880, s0;
	s17 =	sadd.s32 $0x480, s18;
	s16 =	sadd.s32 $0x500, s18  }
0x59: {  	s15 =	sadd.s32 $0x580, s18;
	s8 =	sadd.s32 $0xFFFFFD80, s0;
	s21 =	sadd.s32 $0x300, s18  }
0x5a: {  	s20 =	sadd.s32 $0x380, s18;
	s19 =	sadd.s32 $0x400, s18;
	s24 =	sadd.s32 $0x180, s18;
	v1 =	vshll.u32 v1, $0x4  }
0x5b: {  	s23 =	sadd.s32 $0x200, s18;
	s9 =	sadd.s32 $0xFFFFFE00, s0;
	s28 =	sadd.s32 $0xFFFFF900, s0;
	(v2sf) =	vpush v1, $0x0  }
0x5c: {  	s22 =	sadd.s32 $0x280, s18;
	s6 =	sadd.s32 $0xFFFFFE80, s0;
	s29 =	spop (v2sf);
	(v2sf) =	vpush v1, $0x1  }
0x5d: {  	s30 =	sadd.s32 $0xFFFFF800, s0;
	s29 =	sand.u32 $0x1FFFFFF0, s29;
	s31 =	spop (v2sf);
	(v2sf) =	vpush v1, $0x2  }
0x5e: {  	s29 =	sadd.s32 s3, s29;
	s31 =	sand.u32 $0x1FFFFFF0, s31;
	s1 =	spop (v2sf)  }
0x5f: {  	[tilespmem:s30], [sflag:$0x1] =	stream.linear.gather [hbm4b:s29+s2], $0x80, $0x38;
	(v2sf) =	vpush v1, $0x3;
	[tilespmem:$0x10200] =	vst v63  }
0x60: {  	s29 =	sadd.s32 s3, s31;
	s1 =	sand.u32 $0x1FFFFFF0, s1;
	s31 =	spop (v2sf)  }
0x61: {  	[tilespmem:s14], [sflag:$0x1] =	stream.linear.gather [hbm4b:s29+s2], $0x80, $0x38;
	(v2sf) =	vpush v1, $0x4;
	[tilespmem:$0x10200] =	vst v63  }
0x62: {  	s1 =	sadd.s32 s3, s1;
	s30 =	sand.u32 $0x1FFFFFF0, s31;
	s31 =	spop (v2sf)  }
0x63: {  	(v2sf) =	vpush v1, $0x5;
	[tilespmem:s28], [sflag:$0x1] =	stream.linear.gather [hbm4b:s1+s2], $0x80, $0x38;
	[tilespmem:$0x10200] =	vst v63  }
0x64: {  	s14 =	sadd.s32 s3, s30;
	s30 =	sand.u32 $0x1FFFFFF0, s31;
	s31 =	spop (v2sf)  }
0x65: {  	(v2sf) =	vpush v1, $0x6;
	[tilespmem:s12], [sflag:$0x1] =	stream.linear.gather [hbm4b:s14+s2], $0x80, $0x38;
	[tilespmem:$0x10200] =	vst v63  }
0x66: {  	s29 =	sadd.s32 $0xFFFFFA00, s0;
	s30 =	sadd.s32 s3, s30;
	s31 =	sand.u32 $0x1FFFFFF0, s31  }
0x67: {  	(v2sf) =	vpush v1, $0x7;
	[tilespmem:s29], [sflag:$0x1] =	stream.linear.gather [hbm4b:s30+s2], $0x80, $0x38;
	[tilespmem:$0x10200] =	vst v63  }
0x68: {  	s26 =	sadd.s32 $0x80, s18;
	s28 =	sadd.s32 $0xFFFFFA80, s0;
	s14 =	sadd.s32 s3, s31  }
0x69: {  	(v2sf) =	vpush v1, $0x8;
	[tilespmem:s28], [sflag:$0x1] =	stream.linear.gather [hbm4b:s14+s2], $0x80, $0x38;
	[tilespmem:$0x10200] =	vst v63  }
0x6a: {  	s25 =	sadd.s32 $0x100, s18;
	s13 =	sadd.s32 $0x600, s18;
	s29 =	spop (v2sf)  }
0x6b: {  	s12 =	sadd.s32 $0xFFFFFD00, s0;
	s1 =	sand.u32 $0x1FFFFFF0, s29;
	s30 =	spop (v2sf);
	(v2sf) =	vpush v1, $0x9  }
0x6c: {  	s1 =	sadd.s32 s3, s1;
	s28 =	sand.u32 $0x1FFFFFF0, s30;
	s31 =	spop (v2sf)  }
0x6d: {  	(v2sf) =	vpush v1, $0xA;
	[tilespmem:s18], [sflag:$0x1] =	stream.linear.gather [hbm4b:s1+s2], $0x80, $0x38;
	[tilespmem:$0x10200] =	vst v63  }
0x6e: {  	s18 =	sadd.s32 s3, s28;
	s30 =	sand.u32 $0x1FFFFFF0, s31;
	s31 =	spop (v2sf)  }
0x6f: {  	(v2sf) =	vpush v1, $0xB;
	[tilespmem:s26], [sflag:$0x1] =	stream.linear.gather [hbm4b:s18+s2], $0x80, $0x38;
	[tilespmem:$0x10200] =	vst v63  }
0x70: {  	s28 =	spop (v2sf);
	s18 =	sadd.s32 s3, s30;
	s26 =	sand.u32 $0x1FFFFFF0, s31  }
0x71: {  	(v2sf) =	vpush v1, $0xC;
	[tilespmem:s25], [sflag:$0x1] =	stream.linear.gather [hbm4b:s18+s2], $0x80, $0x38;
	[tilespmem:$0x10200] =	vst v63  }
0x72: {  	s30 =	sand.u32 $0x1FFFFFF0, s28;
	s31 =	spop (v2sf);
	s29 =	sadd.s32 s3, s26  }
0x73: {  	(v2sf) =	vpush v1, $0xD;
	[tilespmem:s24], [sflag:$0x1] =	stream.linear.gather [hbm4b:s29+s2], $0x80, $0x38;
	[tilespmem:$0x10200] =	vst v63  }
0x74: {  	s26 =	sand.u32 $0x1FFFFFF0, s31;
	s28 =	spop (v2sf);
	s24 =	sadd.s32 s3, s30  }
0x75: {  	(v2sf) =	vpush v1, $0xE;
	[tilespmem:s23], [sflag:$0x1] =	stream.linear.gather [hbm4b:s24+s2], $0x80, $0x38;
	[tilespmem:$0x10200] =	vst v63  }
0x76: {  	s31 =	spop (v2sf);
	s29 =	sadd.s32 s3, s26;
	s30 =	sand.u32 $0x1FFFFFF0, s28  }
0x77: {  	[tilespmem:s22], [sflag:$0x1] =	stream.linear.gather [hbm4b:s29+s2], $0x80, $0x38;
	[tilespmem:$0x10200] =	vst v63  }
0x78: {  	s23 =	sand.u32 $0x1FFFFFF0, s31;
	s24 =	spop (v2sf);
	s22 =	sadd.s32 s3, s30  }
0x79: {  	(v2sf) =	vpush v1, $0xF;
	[tilespmem:s21], [sflag:$0x1] =	stream.linear.gather [hbm4b:s22+s2], $0x80, $0x38;
	[tilespmem:$0x10200] =	vst v63  }
0x7a: {  	s25 =	sadd.s32 s3, s23;
	s26 =	sand.u32 $0x1FFFFFF0, s24;
	s28 =	spop (v2sf)  }
0x7b: {  	(v2sf) =	vpush v0, $0x6;
	[tilespmem:s20], [sflag:$0x1] =	stream.linear.gather [hbm4b:s25+s2], $0x80, $0x38;
	[tilespmem:$0x10200] =	vst v63  }
0x7c: {  	s29 =	sadd.s32 s3, s26;
	s30 =	sand.u32 $0x1FFFFFF0, s28;
	s31 =	spop (v2sf)  }
0x7d: {  	[tilespmem:s19], [sflag:$0x1] =	stream.linear.gather [hbm4b:s29+s2], $0x80, $0x38;
	[tilespmem:$0x10200] =	vst v63  }
0x7e: {  	(v2sf) =	vpush v0, $0x7;
	s20 =	sand.u32 $0x1FFFFFF0, s31;
	s21 =	spop (v2sf);
	s19 =	sadd.s32 s3, s30  }
0x7f: {  	[tilespmem:s17], [sflag:$0x1] =	stream.linear.gather [hbm4b:s19+s2], $0x80, $0x38;
	[tilespmem:$0x10200] =	vst v63  }
0x80: {  	(v2sf) =	vpush v0, $0x8;
	s22 =	sadd.s32 s3, s20;
	s23 =	sand.u32 $0x1FFFFFF0, s21;
	s24 =	spop (v2sf)  }
0x81: {  	(v2sf) =	vpush v0, $0x9;
	[tilespmem:s16], [sflag:$0x1] =	stream.linear.gather [hbm4b:s22+s2], $0x80, $0x38;
	[tilespmem:$0x10200] =	vst v63  }
0x82: {  	s25 =	sadd.s32 s3, s23;
	s26 =	sand.u32 $0x1FFFFFF0, s24;
	s28 =	spop (v2sf)  }
0x83: {  	(v2sf) =	vpush v0, $0xA;
	[tilespmem:s15], [sflag:$0x1] =	stream.linear.gather [hbm4b:s25+s2], $0x80, $0x38;
	[tilespmem:$0x10200] =	vst v63  }
0x84: {  	s29 =	sadd.s32 s3, s26;
	s30 =	sand.u32 $0x1FFFFFF0, s28;
	s31 =	spop (v2sf)  }
0x85: {  	[tilespmem:s13], [sflag:$0x1] =	stream.linear.gather [hbm4b:s29+s2], $0x80, $0x38;
	[tilespmem:$0x10200] =	vst v63  }
0x86: {  	s14 =	sadd.s32 $0xFFFFFC80, s0;
	s17 =	sadd.s32 s3, s30;
	s18 =	sand.u32 $0x1FFFFFF0, s31  }
0x87: {  	[tilespmem:s4], [sflag:$0x1] =	stream.linear.gather [hbm4b:s17+s2], $0x80, $0x38;
	[tilespmem:$0x10200] =	vst v63  }
0x88: {  	s20 =	sadd.s32 $0xFFFFFC00, s0;
	s19 =	spop (v2sf);
	s21 =	sadd.s32 s3, s18  }
0x89: {  	[tilespmem:s11], [sflag:$0x1] =	stream.linear.gather [hbm4b:s21+s2], $0x80, $0x38;
	[tilespmem:$0x10200] =	vst v63  }
0x8a: {  	s23 =	sadd.s32 $0xFFFFFB80, s0;
	s22 =	sand.u32 $0x1FFFFFF0, s19;
	s24 =	spop (v2sf)  }
0x8b: {  	s25 =	sadd.s32 $0xFFFFFB00, s0;
	s13 =	sadd.s32 s3, s22;
	s11 =	sand.u32 $0x1FFFFFF0, s24  }
0x8c: {  	[tilespmem:s10], [sflag:$0x1] =	stream.linear.gather [hbm4b:s13+s2], $0x80, $0x38;
	[tilespmem:$0x10200] =	vst v63  }
0x8d: {  	s15 =	rddreg [dreg:$0x10];
	s26 =	spop (v2sf);
	s11 =	sadd.s32 s3, s11  }
0x8e: {  	[tilespmem:s25], [sflag:$0x1] =	stream.linear.gather [hbm4b:s11+s2], $0x80, $0x38;
	[tilespmem:$0x10200] =	vst v63  }
.Ltmp0:
0x8f: {  	(v2sf) =	vpush v0, $0xB;
	s13 =	sand.u32 $0x1FFFFFF0, s26;
	s28 =	spop (v2sf);
	(pc) =	sbr.rel @p0 .LBB2_2-.Ltmp0, $4  }
0x90: {  	(v2sf) =	vpush v0, $0xC;
	s29 =	sadd.s32 s3, s13;
	s30 =	sand.u32 $0x1FFFFFF0, s28;
	s31 =	spop (v2sf)  }
0x91: {  	(v2sf) =	vpush v0, $0xD;
	[tilespmem:s23], [sflag:$0x1] =	stream.linear.gather [hbm4b:s29+s2], $0x80, $0x38;
	[tilespmem:$0x10200] =	vst v63  }
0x92: {  	(v2sf) =	vpush v0, $0xE;
	s11 =	sadd.s32 s3, s30;
	s4 =	sand.u32 $0x1FFFFFF0, s31;
	s10 =	spop (v2sf)  }
0x93: {  	(v2sf) =	vpush v0, $0xF;
	[tilespmem:s20], [sflag:$0x1] =	stream.linear.gather [hbm4b:s11+s2], $0x80, $0x38;
	[tilespmem:$0x10200] =	vst v63  }
0x94: {  	_ =	sdelay $0x5  }
0x95: {  	s1 =	sadd.s32 s3, s4;
	s26 =	sand.u32 $0x1FFFFFF0, s10  }
0x96: {  	[tilespmem:s14], [sflag:$0x1] =	stream.linear.gather [hbm4b:s1+s2], $0x80, $0x38;
	[tilespmem:$0x10200] =	vst v63  }
0x97: {  	s28 =	sadd.s32 s3, s26  }
0x98: {  	[tilespmem:s12], [sflag:$0x1] =	stream.linear.gather [hbm4b:s28+s2], $0x80, $0x38;
	[tilespmem:$0x10200] =	vst v63  }
0x99: {  	s5 =	spop (v2sf)  }
0x9a: {  	s30 =	sand.u32 $0x1FFFFFF0, s5;
	s31 =	spop (v2sf)  }
0x9b: {  	s4 =	sadd.s32 s3, s30;
	s5 =	sand.u32 $0x1FFFFFF0, s31;
	s7 =	spop (v2sf)  }
0x9c: {  	[tilespmem:s8], [sflag:$0x1] =	stream.linear.gather [hbm4b:s4+s2], $0x80, $0x38;
	[tilespmem:$0x10200] =	vst v63  }
0x9d: {  	s8 =	sadd.s32 s3, s5;
	s10 =	sand.u32 $0x1FFFFFF0, s7;
	s11 =	spop (v2sf)  }
0x9e: {  	[tilespmem:s9], [sflag:$0x1] =	stream.linear.gather [hbm4b:s8+s2], $0x80, $0x38;
	[tilespmem:$0x10200] =	vst v63  }
0x9f: {  	s12 =	sadd.s32 s3, s10;
	s13 =	sand.u32 $0x1FFFFFF0, s11;
	s14 =	spop (v2sf)  }
0xa0: {  	[tilespmem:s6], [sflag:$0x1] =	stream.linear.gather [hbm4b:s12+s2], $0x80, $0x38;
	[tilespmem:$0x10200] =	vst v63  }
0xa1: {  	s16 =	sadd.s32 $0xFFFFFF00, s0;
	s4 =	sadd.s32 s3, s13;
	s5 =	sand.u32 $0x1FFFFFF0, s14  }
0xa2: {  	[tilespmem:s16], [sflag:$0x1] =	stream.linear.gather [hbm4b:s4+s2], $0x80, $0x38;
	[tilespmem:$0x10200] =	vst v63  }
0xa3: {  	s17 =	sadd.s32 $0xFFFFFF80, s0;
	s18 =	sadd.s32 s3, s5  }
0xa4: {  	[tilespmem:s17], [sflag:$0x1] =	stream.linear.gather [hbm4b:s18+s2], $0x80, $0x38;
	[tilespmem:$0x10200] =	vst v63  }
0xa5: {  	v0 =	vld [tilespmem:s15+$0x0];
	_ =	sdelay $0x4  }
0xa6: {  	v0 =	vshll.u32 v0, $0x4  }
0xa7: {  	(v2sf) =	vpush v0, $0x0  }
0xa8: {  	(v2sf) =	vpush v0, $0x1  }
0xa9: {  	(v2sf) =	vpush v0, $0x2;
	_ =	sdelay $0x1  }
0xaa: {  	(v2sf) =	vpush v0, $0x3;
	_ =	sdelay $0x1  }
0xab: {  	(v2sf) =	vpush v0, $0x4;
	_ =	sdelay $0x1  }
0xac: {  	(v2sf) =	vpush v0, $0x5;
	_ =	sdelay $0x1  }
0xad: {  	(v2sf) =	vpush v0, $0x6  }
0xae: {  	s19 =	sadd.s32 $0x80, s0  }
0xaf: {  	s1 =	sadd.s32 $0x680, s0;
	s7 =	sadd.s32 $0x480, s0;
	s10 =	sadd.s32 $0x400, s0;
	(v2sf) =	vpush v0, $0x7  }
0xb0: {  	s11 =	sadd.s32 $0x180, s0;
	s8 =	sadd.s32 $0x300, s0;
	s9 =	sadd.s32 $0x380, s0  }
0xb1: {  	s13 =	sadd.s32 $0x280, s0;
	s5 =	sadd.s32 $0x580, s0;
	s6 =	sadd.s32 $0x500, s0;
	(v2sf) =	vpush v0, $0x8  }
0xb2: {  	s12 =	sadd.s32 $0x200, s0;
	s4 =	sadd.s32 $0x600, s0;
	s20 =	spop (v2sf)  }
0xb3: {  	s16 =	sadd.s32 $0x100, s0;
	(v2sf) =	vpush v0, $0x9;
	s15 =	sand.u32 $0x1FFFFFF0, s20;
	s17 =	spop (v2sf)  }
0xb4: {  	s15 =	sadd.s32 s3, s15;
	s17 =	sand.u32 $0x1FFFFFF0, s17;
	s18 =	spop (v2sf)  }
0xb5: {  	(v2sf) =	vpush v0, $0xA;
	[tilespmem:s0], [sflag:$0x1] =	stream.linear.gather [hbm4b:s15+s2], $0x80, $0x38;
	[tilespmem:$0x10200] =	vst v63  }
0xb6: {  	s21 =	sadd.s32 s3, s17;
	s22 =	sand.u32 $0x1FFFFFF0, s18;
	s23 =	spop (v2sf)  }
0xb7: {  	(v2sf) =	vpush v0, $0xB;
	[tilespmem:s19], [sflag:$0x1] =	stream.linear.gather [hbm4b:s21+s2], $0x80, $0x38;
	[tilespmem:$0x10200] =	vst v63  }
0xb8: {  	s24 =	sadd.s32 s3, s22;
	s25 =	sand.u32 $0x1FFFFFF0, s23;
	s26 =	spop (v2sf)  }
0xb9: {  	(v2sf) =	vpush v0, $0xC;
	[tilespmem:s16], [sflag:$0x1] =	stream.linear.gather [hbm4b:s24+s2], $0x80, $0x38;
	[tilespmem:$0x10200] =	vst v63  }
0xba: {  	s28 =	sadd.s32 s3, s25;
	s30 =	sand.u32 $0x1FFFFFF0, s26;
	s31 =	spop (v2sf)  }
0xbb: {  	(v2sf) =	vpush v0, $0xD;
	[tilespmem:s11], [sflag:$0x1] =	stream.linear.gather [hbm4b:s28+s2], $0x80, $0x38;
	[tilespmem:$0x10200] =	vst v63  }
0xbc: {  	s15 =	sadd.s32 s3, s30;
	s17 =	spop (v2sf);
	s16 =	sand.u32 $0x1FFFFFF0, s31  }
0xbd: {  	(v2sf) =	vpush v0, $0xE;
	[tilespmem:s12], [sflag:$0x1] =	stream.linear.gather [hbm4b:s15+s2], $0x80, $0x38;
	[tilespmem:$0x10200] =	vst v63  }
0xbe: {  	s19 =	sand.u32 $0x1FFFFFF0, s17;
	s20 =	spop (v2sf);
	s18 =	sadd.s32 s3, s16  }
0xbf: {  	(v2sf) =	vpush v0, $0xF;
	[tilespmem:s13], [sflag:$0x1] =	stream.linear.gather [hbm4b:s18+s2], $0x80, $0x38;
	[tilespmem:$0x10200] =	vst v63  }
0xc0: {  	s21 =	sadd.s32 s3, s19;
	s22 =	sand.u32 $0x1FFFFFF0, s20;
	s23 =	spop (v2sf)  }
0xc1: {  	[tilespmem:s8], [sflag:$0x1] =	stream.linear.gather [hbm4b:s21+s2], $0x80, $0x38;
	[tilespmem:$0x10200] =	vst v63  }
0xc2: {  	s24 =	sadd.s32 s3, s22;
	s25 =	sand.u32 $0x1FFFFFF0, s23;
	s26 =	spop (v2sf)  }
0xc3: {  	[tilespmem:s9], [sflag:$0x1] =	stream.linear.gather [hbm4b:s24+s2], $0x80, $0x38;
	[tilespmem:$0x10200] =	vst v63  }
0xc4: {  	s28 =	sadd.s32 s3, s25;
	s30 =	sand.u32 $0x1FFFFFF0, s26;
	s31 =	spop (v2sf)  }
0xc5: {  	[tilespmem:s10], [sflag:$0x1] =	stream.linear.gather [hbm4b:s28+s2], $0x80, $0x38;
	[tilespmem:$0x10200] =	vst v63  }
0xc6: {  	s12 =	sadd.s32 s3, s30;
	s14 =	spop (v2sf);
	s13 =	sand.u32 $0x1FFFFFF0, s31  }
0xc7: {  	[tilespmem:s7], [sflag:$0x1] =	stream.linear.gather [hbm4b:s12+s2], $0x80, $0x38;
	[tilespmem:$0x10200] =	vst v63  }
0xc8: {  	s16 =	sand.u32 $0x1FFFFFF0, s14;
	s17 =	spop (v2sf);
	s15 =	sadd.s32 s3, s13  }
0xc9: {  	[tilespmem:s6], [sflag:$0x1] =	stream.linear.gather [hbm4b:s15+s2], $0x80, $0x38;
	[tilespmem:$0x10200] =	vst v63  }
0xca: {  	s18 =	sadd.s32 s3, s16;
	s19 =	sand.u32 $0x1FFFFFF0, s17;
	s20 =	spop (v2sf)  }
0xcb: {  	[tilespmem:s5], [sflag:$0x1] =	stream.linear.gather [hbm4b:s18+s2], $0x80, $0x38;
	[tilespmem:$0x10200] =	vst v63  }
0xcc: {  	s21 =	sadd.s32 s3, s19;
	s22 =	sand.u32 $0x1FFFFFF0, s20;
	s23 =	spop (v2sf)  }
0xcd: {  	[tilespmem:s4], [sflag:$0x1] =	stream.linear.gather [hbm4b:s21+s2], $0x80, $0x38;
	[tilespmem:$0x10200] =	vst v63  }
0xce: {  	s24 =	sadd.s32 s3, s22;
	s25 =	sand.u32 $0x1FFFFFF0, s23;
	s26 =	spop (v2sf)  }
0xcf: {  	[tilespmem:s1], [sflag:$0x1] =	stream.linear.gather [hbm4b:s24+s2], $0x80, $0x38;
	[tilespmem:$0x10200] =	vst v63  }
0xd0: {  	s28 =	sadd.s32 $0x700, s0;
	s30 =	sadd.s32 s3, s25;
	s31 =	sand.u32 $0x1FFFFFF0, s26  }
0xd1: {  	[tilespmem:s28], [sflag:$0x1] =	stream.linear.gather [hbm4b:s30+s2], $0x80, $0x38;
	[tilespmem:$0x10200] =	vst v63  }
0xd2: {  	s5 =	sadd.s32 s3, s31;
	s4 =	sadd.s32 $0x780, s0  }
0xd3: {  	[tilespmem:s4], [sflag:$0x1] =	stream.linear.gather [hbm4b:s5+s2], $0x80, $0x38;
	[tilespmem:$0x10200] =	vst v63  }
0xd4: {  	v0 =	vld [tilespmem:$0x160];
	_ =	sdelay $0x4  }
0xd5: {  	v0 =	vshll.u32 v0, $0x4  }
0xd6: {  	(v2sf) =	vpush v0, $0x0;
	_ =	sdelay $0x1  }
0xd7: {  	(v2sf) =	vpush v0, $0x1;
	_ =	sdelay $0x2  }
0xd8: {  	(v2sf) =	vpush v0, $0x2;
	_ =	sdelay $0x2  }
0xd9: {  	(v2sf) =	vpush v0, $0x3;
	_ =	sdelay $0x2  }
0xda: {  	(v2sf) =	vpush v0, $0x4;
	_ =	sdelay $0x2  }
0xdb: {  	(v2sf) =	vpush v0, $0x5  }
0xdc: {  	s6 =	spop (v2sf)  }
0xdd: {  	s0 =	sand.u32 $0x1FFFFFF0, s6  }
0xde: {  	s7 =	simm.s32 $0xB200;
	(v2sf) =	vpush v0, $0x6;
	s8 =	spop (v2sf);
	s0 =	sadd.s32 s3, s0  }
0xdf: {  	[tilespmem:s7], [sflag:$0x1] =	stream.linear.gather [hbm4b:s0+s2], $0x80, $0x38;
	[tilespmem:$0x10200] =	vst v63  }
0xe0: {  	s0 =	sand.u32 $0x1FFFFFF0, s8  }
0xe1: {  	s9 =	simm.s32 $0xB280;
	(v2sf) =	vpush v0, $0x7;
	s10 =	spop (v2sf);
	s0 =	sadd.s32 s3, s0  }
0xe2: {  	[tilespmem:s9], [sflag:$0x1] =	stream.linear.gather [hbm4b:s0+s2], $0x80, $0x38;
	[tilespmem:$0x10200] =	vst v63  }
0xe3: {  	s0 =	sand.u32 $0x1FFFFFF0, s10  }
0xe4: {  	s11 =	simm.s32 $0xB300;
	(v2sf) =	vpush v0, $0x8;
	s12 =	spop (v2sf);
	s0 =	sadd.s32 s3, s0  }
0xe5: {  	[tilespmem:s11], [sflag:$0x1] =	stream.linear.gather [hbm4b:s0+s2], $0x80, $0x38;
	[tilespmem:$0x10200] =	vst v63  }
0xe6: {  	s0 =	sand.u32 $0x1FFFFFF0, s12  }
0xe7: {  	s13 =	simm.s32 $0xB380;
	(v2sf) =	vpush v0, $0x9;
	s14 =	spop (v2sf);
	s0 =	sadd.s32 s3, s0  }
0xe8: {  	[tilespmem:s13], [sflag:$0x1] =	stream.linear.gather [hbm4b:s0+s2], $0x80, $0x38;
	[tilespmem:$0x10200] =	vst v63  }
0xe9: {  	s0 =	sand.u32 $0x1FFFFFF0, s14  }
0xea: {  	s15 =	simm.s32 $0xB400;
	(v2sf) =	vpush v0, $0xA;
	s16 =	spop (v2sf);
	s0 =	sadd.s32 s3, s0  }
0xeb: {  	[tilespmem:s15], [sflag:$0x1] =	stream.linear.gather [hbm4b:s0+s2], $0x80, $0x38;
	[tilespmem:$0x10200] =	vst v63  }
0xec: {  	s0 =	sand.u32 $0x1FFFFFF0, s16  }
0xed: {  	s17 =	simm.s32 $0xB480;
	(v2sf) =	vpush v0, $0xB;
	s18 =	spop (v2sf);
	s0 =	sadd.s32 s3, s0  }
0xee: {  	[tilespmem:s17], [sflag:$0x1] =	stream.linear.gather [hbm4b:s0+s2], $0x80, $0x38;
	[tilespmem:$0x10200] =	vst v63  }
0xef: {  	s0 =	sand.u32 $0x1FFFFFF0, s18  }
0xf0: {  	s19 =	simm.s32 $0xB500;
	(v2sf) =	vpush v0, $0xC;
	s20 =	spop (v2sf);
	s0 =	sadd.s32 s3, s0  }
0xf1: {  	[tilespmem:s19], [sflag:$0x1] =	stream.linear.gather [hbm4b:s0+s2], $0x80, $0x38;
	[tilespmem:$0x10200] =	vst v63  }
0xf2: {  	s0 =	sand.u32 $0x1FFFFFF0, s20  }
0xf3: {  	s21 =	simm.s32 $0xB580;
	(v2sf) =	vpush v0, $0xD;
	s22 =	spop (v2sf);
	s0 =	sadd.s32 s3, s0  }
0xf4: {  	[tilespmem:s21], [sflag:$0x1] =	stream.linear.gather [hbm4b:s0+s2], $0x80, $0x38;
	[tilespmem:$0x10200] =	vst v63  }
0xf5: {  	s0 =	sand.u32 $0x1FFFFFF0, s22  }
0xf6: {  	s23 =	simm.s32 $0xB600;
	(v2sf) =	vpush v0, $0xE;
	s24 =	spop (v2sf);
	s0 =	sadd.s32 s3, s0  }
0xf7: {  	[tilespmem:s23], [sflag:$0x1] =	stream.linear.gather [hbm4b:s0+s2], $0x80, $0x38;
	[tilespmem:$0x10200] =	vst v63  }
0xf8: {  	s0 =	sand.u32 $0x1FFFFFF0, s24  }
0xf9: {  	s25 =	simm.s32 $0xB680;
	(v2sf) =	vpush v0, $0xF;
	s26 =	spop (v2sf);
	s0 =	sadd.s32 s3, s0  }
0xfa: {  	[tilespmem:s25], [sflag:$0x1] =	stream.linear.gather [hbm4b:s0+s2], $0x80, $0x38;
	[tilespmem:$0x10200] =	vst v63  }
0xfb: {  	s0 =	sand.u32 $0x1FFFFFF0, s26  }
0xfc: {  	s28 =	simm.s32 $0xB700;
	s30 =	spop (v2sf);
	s0 =	sadd.s32 s3, s0  }
0xfd: {  	[tilespmem:s28], [sflag:$0x1] =	stream.linear.gather [hbm4b:s0+s2], $0x80, $0x38;
	[tilespmem:$0x10200] =	vst v63  }
0xfe: {  	s0 =	sand.u32 $0x1FFFFFF0, s30  }
0xff: {  	s31 =	simm.s32 $0xB780;
	s4 =	spop (v2sf);
	s0 =	sadd.s32 s3, s0  }
0x100: {  	[tilespmem:s31], [sflag:$0x1] =	stream.linear.gather [hbm4b:s0+s2], $0x80, $0x38;
	[tilespmem:$0x10200] =	vst v63  }
0x101: {  	s0 =	sand.u32 $0x1FFFFFF0, s4  }
0x102: {  	s5 =	simm.s32 $0xB800;
	s6 =	spop (v2sf);
	s0 =	sadd.s32 s3, s0  }
0x103: {  	[tilespmem:s5], [sflag:$0x1] =	stream.linear.gather [hbm4b:s0+s2], $0x80, $0x38;
	[tilespmem:$0x10200] =	vst v63  }
0x104: {  	s0 =	sand.u32 $0x1FFFFFF0, s6  }
0x105: {  	s7 =	simm.s32 $0xB880;
	s8 =	spop (v2sf);
	s0 =	sadd.s32 s3, s0  }
0x106: {  	[tilespmem:s7], [sflag:$0x1] =	stream.linear.gather [hbm4b:s0+s2], $0x80, $0x38;
	[tilespmem:$0x10200] =	vst v63  }
0x107: {  	s0 =	sand.u32 $0x1FFFFFF0, s8  }
0x108: {  	s9 =	simm.s32 $0xB900;
	s10 =	spop (v2sf);
	s0 =	sadd.s32 s3, s0  }
0x109: {  	[tilespmem:s9], [sflag:$0x1] =	stream.linear.gather [hbm4b:s0+s2], $0x80, $0x38;
	[tilespmem:$0x10200] =	vst v63  }
0x10a: {  	s0 =	sand.u32 $0x1FFFFFF0, s10  }
0x10b: {  	s1 =	simm.s32 $0x180;
	s11 =	simm.s32 $0xB980;
	s0 =	sadd.s32 s3, s0  }
0x10c: {  	[tilespmem:s11], [sflag:$0x1] =	stream.linear.gather [hbm4b:s0+s2], $0x80, $0x38;
	[tilespmem:$0x10200] =	vst v63  }
0x10d: {  	v0 =	vld [tilespmem:s1+$0xFFFFFFF0];
	_ =	sdelay $0x4  }
0x10e: {  	v0 =	vshll.u32 v0, $0x4  }
0x10f: {  	(v2sf) =	vpush v0, $0x2  }
0x110: {  	(v2sf) =	vpush v0, $0xC  }
0x111: {  	(v2sf) =	vpush v0, $0x7  }
0x112: {  	(v2sf) =	vpush v0, $0x5;
	_ =	sdelay $0x1  }
0x113: {  	(v2sf) =	vpush v0, $0x1  }
0x114: {  	(v2sf) =	vpush v0, $0x8  }
0x115: {  	(v2sf) =	vpush v0, $0xE  }
0x116: {  	(v2sf) =	vpush v0, $0x4  }
0x117: {  	(v2sf) =	vpush v0, $0x3  }
0x118: {  	(v2sf) =	vpush v0, $0x0  }
0x119: {  	s29 =	sld [smem:$0x7FD];
	(v2sf) =	vpush v0, $0x9  }
0x11a: {  	(v2sf) =	vpush v0, $0xB  }
0x11b: {  	s22 =	stileid.u32;
	(v2sf) =	vpush v0, $0xA  }
0x11c: {  	s21 =	sadd.s32 $0xFFFFFE10, s29;
	s23 =	sshll.u32 s22, $0x6;
	s22 =	sadd.s32 $0xFFFFFEC0, s29  }
0x11d: {  	s26 =	sadd.s32 $0xFFFFFE20, s29;
	s28 =	sadd.s32 $0xFFFFFE30, s29;
	(v2sf) =	vpush v0, $0x6;
	s12 =	spop (v2sf)  }
0x11e: {  	s30 =	sadd.s32 $0xFFFFFE40, s29;
	s0 =	sor.u32 $0x1C02, s23;
	(v2sf) =	vpush v0, $0xD;
	s5 =	spop (v2sf)  }
0x11f: {  	s2 =	sadd.s32 $0xFFFFFE50, s29;
	s23 =	sadd.s32 $0xFFFFFED0, s29;
	s6 =	spop (v2sf)  }
0x120: {  	s4 =	sand.u32 $0x1FFFFFF0, s12;
	s5 =	sand.u32 $0x1FFFFFF0, s5;
	s7 =	spop (v2sf);
	(v2sf) =	vpush v0, $0xF  }
0x121: {  	s4 =	sadd.s32 s3, s4;
	s6 =	sand.u32 $0x1FFFFFF0, s6;
	s5 =	sadd.s32 s3, s5  }
0x122: {  	s18 =	spop (v2sf);
	s7 =	sand.u32 $0x1FFFFFF0, s7;
	s6 =	sadd.s32 s3, s6  }
0x123: {  	s9 =	spop (v2sf);
	s8 =	sand.u32 $0x1FFFFFF0, s18;
	s7 =	sadd.s32 s3, s7  }
0x124: {  	s10 =	spop (v2sf);
	s8 =	sadd.s32 s3, s8;
	s9 =	sand.u32 $0x1FFFFFF0, s9  }
0x125: {  	s11 =	spop (v2sf);
	s9 =	sadd.s32 s3, s9;
	s10 =	sand.u32 $0x1FFFFFF0, s10  }
0x126: {  	s19 =	spop (v2sf);
	s11 =	sand.u32 $0x1FFFFFF0, s11;
	s10 =	sadd.s32 s3, s10  }
0x127: {  	s20 =	spop (v2sf);
	s12 =	sand.u32 $0x1FFFFFF0, s19;
	s11 =	sadd.s32 s3, s11  }
0x128: {  	s14 =	spop (v2sf);
	s24 =	sand.u32 $0x1FFFFFF0, s20;
	s31 =	sadd.s32 s3, s12  }
0x129: {  	s12 =	sadd.s32 $0xFFFFFE60, s29;
	s20 =	sadd.s32 $0xFFFFFEE0, s29;
	s17 =	spop (v2sf)  }
0x12a: {  	s25 =	sadd.s32 s3, s24;
	s24 =	sadd.s32 $0xFFFFFE80, s29;
	s16 =	spop (v2sf)  }
0x12b: {  	[hbm:s21], [sflag:s0] =	dma.local [hbm:s25], $0x10  }
0x12c: {  	s21 =	sadd.s32 $0xFFFFFE70, s29;
	s16 =	sand.u32 $0x1FFFFFF0, s16;
	s13 =	spop (v2sf)  }
0x12d: {  	s25 =	sadd.s32 $0xFFFFFEA0, s29;
	s16 =	sadd.s32 s3, s16;
	s18 =	spop (v2sf)  }
0x12e: {  	[hbm:s26], [sflag:s0] =	dma.local [hbm:s8], $0x10  }
0x12f: {  	s19 =	sand.u32 $0x1FFFFFF0, s13;
	s8 =	sadd.s32 $0xFFFFFF00, s29;
	s15 =	spop (v2sf)  }
0x130: {  	[hbm:s28], [sflag:s0] =	dma.local [hbm:s4], $0x10  }
0x131: {  	s26 =	sadd.s32 $0xFFFFFE90, s29;
	s4 =	sadd.s32 $0xFFFFFEF0, s29;
	s28 =	sadd.s32 $0xFFFFFEB0, s29  }
0x132: {  	[hbm:s30], [sflag:s0] =	dma.local [hbm:s31], $0x10  }
0x133: {  	s15 =	sand.u32 $0x1FFFFFF0, s15;
	s30 =	sand.u32 $0x1FFFFFF0, s14;
	s31 =	sand.u32 $0x1FFFFFF0, s17  }
0x134: {  	[hbm:s2], [sflag:s0] =	dma.local [hbm:s11], $0x10  }
0x135: {  	s15 =	sadd.s32 s3, s15;
	s2 =	sand.u32 $0x1FFFFFF0, s18;
	s13 =	sadd.s32 s3, s30  }
0x136: {  	[hbm:s12], [sflag:s0] =	dma.local [hbm:s7], $0x10  }
0x137: {  	s14 =	sadd.s32 s3, s31;
	s12 =	sadd.s32 s3, s19;
	s17 =	sadd.s32 s3, s2  }
0x138: {  	[hbm:s21], [sflag:s0] =	dma.local [hbm:s12], $0x10  }
0x139: {  	[hbm:s24], [sflag:s0] =	dma.local [hbm:s6], $0x10  }
0x13a: {  	[hbm:s26], [sflag:s0] =	dma.local [hbm:s9], $0x10  }
0x13b: {  	[hbm:s25], [sflag:s0] =	dma.local [hbm:s13], $0x10  }
0x13c: {  	[hbm:s28], [sflag:s0] =	dma.local [hbm:s16], $0x10  }
0x13d: {  	[hbm:s22], [sflag:s0] =	dma.local [hbm:s14], $0x10  }
0x13e: {  	[hbm:s23], [sflag:s0] =	dma.local [hbm:s5], $0x10  }
0x13f: {  	[hbm:s20], [sflag:s0] =	dma.local [hbm:s17], $0x10  }
0x140: {  	[hbm:s4], [sflag:s0] =	dma.local [hbm:s10], $0x10  }
0x141: {  	[hbm:s8], [sflag:s0] =	dma.local [hbm:s15], $0x10  }
0x142: {  	v0 =	vld [tilespmem:s1+$0x0];
	_ =	sdelay $0x4  }
0x143: {  	s15 =	sadd.s32 $0xFFFFFFF0, s29;
	v0 =	vshll.u32 v0, $0x4  }
0x144: {  	s16 =	sadd.s32 $0xFFFFFFC0, s29;
	[dreg:$0x3] =	wrdreg s15;
	(v2sf) =	vpush v0, $0xF  }
0x145: {  	s17 =	sadd.s32 $0xFFFFFFD0, s29;
	[dreg:$0x6] =	wrdreg s16  }
0x146: {  	s18 =	sadd.s32 $0xFFFFFFE0, s29;
	[dreg:$0x5] =	wrdreg s17;
	(v2sf) =	vpush v0, $0x8  }
0x147: {  	s19 =	sadd.s32 $0xFFFFFFA0, s29;
	[dreg:$0x4] =	wrdreg s18;
	(v2sf) =	vpush v0, $0x7  }
0x148: {  	s20 =	sadd.s32 $0xFFFFFFB0, s29;
	[dreg:$0x8] =	wrdreg s19;
	(v2sf) =	vpush v0, $0x2  }
0x149: {  	s22 =	sadd.s32 $0xFFFFFF70, s29;
	[dreg:$0x7] =	wrdreg s20;
	(v2sf) =	vpush v0, $0x3  }
0x14a: {  	s23 =	sadd.s32 $0xFFFFFF80, s29;
	[dreg:$0xc] =	wrdreg s22;
	(v2sf) =	vpush v0, $0x0  }
0x14b: {  	s24 =	sadd.s32 $0xFFFFFF90, s29;
	[dreg:$0xb] =	wrdreg s23;
	(v2sf) =	vpush v0, $0x1  }
0x14c: {  	s26 =	simm.s32 $0x1A0;
	[dreg:$0xa] =	wrdreg s24;
	(v2sf) =	vpush v0, $0x4  }
0x14d: {  	s21 =	simm.s32 $0x1A0;
	s28 =	sadd.s32 $0xFFFFFF40, s29;
	[dreg:$0x9] =	wrdreg s26;
	(v2sf) =	vpush v0, $0x5  }
0x14e: {  	s30 =	sadd.s32 $0xFFFFFF50, s29;
	v1 =	vld [tilespmem:s21+$0xFFFFFFF0];
	[dreg:$0xf] =	wrdreg s28;
	(v2sf) =	vpush v0, $0x6  }
0x14f: {  	s31 =	sadd.s32 $0xFFFFFF60, s29;
	[dreg:$0xe] =	wrdreg s30;
	(v2sf) =	vpush v0, $0xA  }
0x150: {  	s6 =	smov.u32 s29;
	s25 =	simm.s32 $0x19;
	[dreg:$0xd] =	wrdreg s31;
	(v2sf) =	vpush v0, $0xB  }
.LBB2_4:
0x151: {  	[dreg:$0x1d] =	wrdreg s6;
	s1 =	sadd.s32 $0xFFFFFF30, s6  }
0x152: {  	s29 =	sadd.s32 $0x200, s29;
	(v2sf) =	vpush v0, $0xC;
	s24 =	sadd.s32 $0xFFFFFF10, s6;
	[dreg:$0x11] =	wrdreg s1  }
0x153: {  	s26 =	sadd.s32 $0xFFFFFF20, s6;
	s31 =	spop (v2sf);
	[dreg:$0x19] =	wrdreg s24;
	(v2sf) =	vpush v0, $0x9  }
0x154: {  	[dreg:$0x15] =	wrdreg s26;
	s28 =	sadd.s32 $0xFFFFFEF0, s29;
	s30 =	sadd.s32 $0xFFFFFF00, s29;
	(v2sf) =	vpush v0, $0xD  }
0x155: {  	s4 =	sadd.s32 $0xFFFFFEE0, s29;
	s2 =	spop (v2sf);
	[dreg:$0x13] =	wrdreg s28;
	(v2sf) =	vpush v0, $0xE;
	v1 =	vshll.u32 v1, $0x4  }
0x156: {  	s5 =	sadd.s32 $0xFFFFFEC0, s29;
	s6 =	sadd.s32 $0xFFFFFED0, s29;
	[dreg:$0x12] =	wrdreg s30;
	(v2sf) =	vpush v1, $0x2  }
0x157: {  	s8 =	sadd.s32 $0xFFFFFEA0, s29;
	[dreg:$0x14] =	wrdreg s4;
	s7 =	spop (v2sf);
	(v2sf) =	vpush v1, $0xC  }
0x158: {  	s9 =	sadd.s32 $0xFFFFFEB0, s29;
	[dreg:$0x17] =	wrdreg s5;
	s10 =	spop (v2sf);
	(v2sf) =	vpush v1, $0x7  }
0x159: {  	[dreg:$0x16] =	wrdreg s6;
	s5 =	sand.u32 $0x1FFFFFF0, s7;
	s7 =	spop (v2sf);
	(v2sf) =	vpush v1, $0x5  }
0x15a: {  	s13 =	sadd.s32 $0xFFFFFE90, s29;
	[dreg:$0x1c] =	wrdreg s8;
	s11 =	spop (v2sf);
	(v2sf) =	vpush v1, $0x1  }
0x15b: {  	s6 =	sand.u32 $0x1FFFFFF0, s10;
	s10 =	sand.u32 $0x1FFFFFF0, s11;
	s11 =	spop (v2sf);
	(v2sf) =	vpush v1, $0x8  }
0x15c: {  	s15 =	sadd.s32 $0xFFFFFE80, s29;
	[dreg:$0x1b] =	wrdreg s9;
	s18 =	spop (v2sf)  }
0x15d: {  	s19 =	sadd.s32 $0xFFFFFE70, s29;
	[dreg:$0x1f] =	wrdreg s13;
	s20 =	spop (v2sf)  }
0x15e: {  	s21 =	sadd.s32 $0xFFFFFE60, s29;
	[smem:$0x7E7] =	sst s15;
	(v2sf) =	vpush v1, $0xE;
	s23 =	spop (v2sf)  }
0x15f: {  	s26 =	sadd.s32 $0xFFFFFE50, s29;
	[smem:$0x7E6] =	sst s19;
	(v2sf) =	vpush v1, $0x4;
	s30 =	spop (v2sf)  }
0x160: {  	s4 =	sand.u32 $0x1FFFFFF0, s31;
	[smem:$0x7E5] =	sst s21;
	(v2sf) =	vpush v1, $0x3;
	s1 =	spop (v2sf)  }
0x161: {  	s9 =	sand.u32 $0x1FFFFFF0, s2;
	[smem:$0x7E3] =	sst s26;
	(v2sf) =	vpush v1, $0x0;
	s2 =	spop (v2sf)  }
0x162: {  	s31 =	sadd.s32 $0xFFFFFE40, s29;
	s28 =	sand.u32 $0x1FFFFFF0, s23;
	(v2sf) =	vpush v1, $0x9;
	s23 =	spop (v2sf)  }
0x163: {  	s13 =	sadd.s32 $0xFFFFFE20, s29;
	s16 =	sadd.s32 s3, s9;
	(v2sf) =	vpush v1, $0xB;
	s8 =	spop (v2sf)  }
0x164: {  	[smem:$0x7E2] =	sst s31;
	s14 =	sadd.s32 s3, s10;
	(v2sf) =	vpush v1, $0xA;
	s10 =	spop (v2sf)  }
0x165: {  	s4 =	sadd.s32 s3, s4;
	s9 =	sand.u32 $0x1FFFFFF0, s18;
	s18 =	spop (v2sf)  }
0x166: {  	[dreg:$0x1a] =	wrdreg s16;
	s22 =	sand.u32 $0x1FFFFFF0, s20;
	(v2sf) =	vpush v1, $0x6;
	s20 =	spop (v2sf)  }
0x167: {  	s19 =	sand.u32 $0x1FFFFFF0, s10;
	s10 =	sadd.s32 s3, s6;
	s6 =	spop (v2sf);
	(v2sf) =	vpush v1, $0xD  }
0x168: {  	s12 =	sadd.s32 s3, s5;
	[dreg:$0x1e] =	wrdreg s4;
	s16 =	spop (v2sf)  }
0x169: {  	s7 =	sand.u32 $0x1FFFFFF0, s7;
	[dreg:$0x18] =	wrdreg s12;
	s31 =	spop (v2sf)  }
0x16a: {  	s12 =	sadd.s32 s3, s7;
	s26 =	sand.u32 $0x1FFFFFF0, s8;
	s8 =	spop (v2sf);
	(v2sf) =	vpush v1, $0xF  }
0x16b: {  	s5 =	sadd.s32 $0xFFFFFE30, s29;
	s24 =	sand.u32 $0x1FFFFFF0, s11;
	[smem:$0x7E8] =	sst s12  }
0x16c: {  	[smem:$0x7E4] =	sst s14;
	s14 =	sadd.s32 $0xFFFFFE10, s29;
	s4 =	sadd.s32 s3, s9  }
0x16d: {  	s11 =	sadd.s32 s3, s22;
	[smem:$0x7E1] =	sst s28;
	s21 =	spop (v2sf)  }
0x16e: {  	s15 =	sand.u32 $0x1FFFFFF0, s30;
	s30 =	sand.u32 $0x1FFFFFF0, s1;
	s28 =	spop (v2sf)  }
0x16f: {  	s1 =	sadd.s32 s3, s24;
	s18 =	sand.u32 $0x1FFFFFF0, s18;
	s12 =	spop (v2sf)  }
0x170: {  	s24 =	sand.u32 $0x1FFFFFF0, s31;
	s9 =	sand.u32 $0x1FFFFFF0, s8;
	s8 =	spop (v2sf)  }
0x171: {  	s22 =	sadd.s32 s3, s24;
	s24 =	sand.u32 $0x1FFFFFF0, s12;
	s12 =	spop (v2sf)  }
0x172: {  	s20 =	sand.u32 $0x1FFFFFF0, s20;
	s8 =	sand.u32 $0x1FFFFFF0, s8;
	s31 =	spop (v2sf)  }
0x173: {  	s7 =	sand.u32 $0x1FFFFFF0, s16;
	s8 =	sadd.s32 s3, s8;
	s16 =	spop (v2sf)  }
0x174: {  	[hbm:s14], [sflag:s0] =	dma.local [hbm:s8], $0x10  }
0x175: {  	s8 =	sadd.s32 s3, s9;
	s16 =	sand.u32 $0x1FFFFFF0, s16;
	s14 =	spop (v2sf)  }
0x176: {  	s9 =	sadd.s32 s3, s16;
	s14 =	sand.u32 $0x1FFFFFF0, s14;
	s16 =	spop (v2sf)  }
0x177: {  	[hbm:s13], [sflag:s0] =	dma.local [hbm:s22], $0x10  }
0x178: {  	s18 =	sadd.s32 s3, s18;
	s31 =	sand.u32 $0x1FFFFFF0, s31;
	s13 =	sadd.s32 s3, s14  }
0x179: {  	s14 =	sadd.s32 s3, s20;
	s22 =	sld [smem:$0x7E1];
	s20 =	spop (v2sf)  }
0x17a: {  	[hbm:s5], [sflag:s0] =	dma.local [hbm:s18], $0x10  }
0x17b: {  	s5 =	sadd.s32 s3, s31;
	s31 =	sld [smem:$0x7E2];
	_ =	sdelay $0x1  }
0x17c: {  	s21 =	sand.u32 $0x1FFFFFF0, s21;
	s24 =	sadd.s32 s3, s24  }
0x17d: {  	[hbm:s31], [sflag:s0] =	dma.local [hbm:s24], $0x10  }
0x17e: {  	s18 =	sadd.s32 s3, s21;
	s21 =	sld [smem:$0x7E3]  }
0x17f: {  	s28 =	sand.u32 $0x1FFFFFF0, s28  }
0x180: {  	s28 =	sadd.s32 s3, s28  }
0x181: {  	[hbm:s21], [sflag:s0] =	dma.local [hbm:s28], $0x10  }
0x182: {  	s31 =	sld [smem:$0x7E4];
	_ =	sdelay $0x1  }
0x183: {  	s17 =	smov.u32 s0;
	s21 =	rddreg [dreg:$0x19]  }
0x184: {  	[hbm:s21], [sflag:s17] =	dma.local [hbm:s31], $0x10  }
0x185: {  	s21 =	sld [smem:$0x7E5];
	_ =	sdelay $0x1  }
0x186: {  	s7 =	sadd.s32 s3, s7  }
0x187: {  	[hbm:s21], [sflag:s0] =	dma.local [hbm:s7], $0x10  }
0x188: {  	s7 =	rddreg [dreg:$0x15]  }
0x189: {  	[hbm:s7], [sflag:s17] =	dma.local [hbm:s1], $0x10  }
0x18a: {  	s1 =	sld [smem:$0x7E6];
	_ =	sdelay $0x2  }
0x18b: {  	[hbm:s1], [sflag:s0] =	dma.local [hbm:s13], $0x10  }
0x18c: {  	s1 =	sld [smem:$0x7E7]  }
0x18d: {  	s6 =	sand.u32 $0x1FFFFFF0, s6  }
0x18e: {  	s6 =	sadd.s32 s3, s6  }
0x18f: {  	[hbm:s1], [sflag:s0] =	dma.local [hbm:s6], $0x10  }
0x190: {  	s12 =	sand.u32 $0x1FFFFFF0, s12;
	s1 =	rddreg [dreg:$0x1f]  }
0x191: {  	[hbm:s1], [sflag:s0] =	dma.local [hbm:s8], $0x10  }
0x192: {  	s12 =	sadd.s32 s3, s12;
	s1 =	rddreg [dreg:$0x1c]  }
0x193: {  	[hbm:s1], [sflag:s0] =	dma.local [hbm:s12], $0x10  }
0x194: {  	s1 =	rddreg [dreg:$0x1b]  }
0x195: {  	[hbm:s1], [sflag:s0] =	dma.local [hbm:s9], $0x10  }
0x196: {  	s1 =	rddreg [dreg:$0x17]  }
0x197: {  	[hbm:s1], [sflag:s0] =	dma.local [hbm:s5], $0x10  }
0x198: {  	s16 =	sand.u32 $0x1FFFFFF0, s16;
	s1 =	rddreg [dreg:$0x16]  }
0x199: {  	[hbm:s1], [sflag:s0] =	dma.local [hbm:s14], $0x10  }
0x19a: {  	s16 =	sadd.s32 s3, s16;
	s1 =	rddreg [dreg:$0x14]  }
0x19b: {  	[hbm:s1], [sflag:s0] =	dma.local [hbm:s16], $0x10  }
0x19c: {  	s20 =	sand.u32 $0x1FFFFFF0, s20;
	s1 =	rddreg [dreg:$0x13]  }
0x19d: {  	[hbm:s1], [sflag:s0] =	dma.local [hbm:s18], $0x10  }
0x19e: {  	s20 =	sadd.s32 s3, s20;
	s1 =	rddreg [dreg:$0x12]  }
0x19f: {  	[hbm:s1], [sflag:s0] =	dma.local [hbm:s20], $0x10  }
0x1a0: {  	s12 =	rddreg [dreg:$0x9]  }
0x1a1: {  	s1 =	rddreg [dreg:$0x11]  }
0x1a2: {  	v0 =	vld [tilespmem:s12+$0x0];
	[hbm:s1], [sflag:s17] =	dma.local [hbm:s10], $0x10  }
0x1a3: {  	s13 =	sld [smem:$0x7E8];
	_ =	sdelay $0x1  }
0x1a4: {  	s1 =	rddreg [dreg:$0xf]  }
0x1a5: {  	[hbm:s1], [sflag:s17] =	dma.local [hbm:s13], $0x10  }
0x1a6: {  	s1 =	rddreg [dreg:$0xe]  }
0x1a7: {  	[hbm:s1], [sflag:s17] =	dma.local [hbm:s4], $0x10  }
0x1a8: {  	s1 =	rddreg [dreg:$0xd]  }
0x1a9: {  	[hbm:s1], [sflag:s17] =	dma.local [hbm:s11], $0x10  }
0x1aa: {  	s22 =	sadd.s32 s3, s22;
	s1 =	rddreg [dreg:$0xc]  }
0x1ab: {  	[hbm:s1], [sflag:s17] =	dma.local [hbm:s22], $0x10  }
0x1ac: {  	s1 =	rddreg [dreg:$0xb]  }
0x1ad: {  	s14 =	rddreg [dreg:$0x18]  }
0x1ae: {  	[hbm:s1], [sflag:s17] =	dma.local [hbm:s14], $0x10  }
0x1af: {  	v0 =	vshll.u32 v0, $0x4;
	s1 =	rddreg [dreg:$0xa]  }
0x1b0: {  	s23 =	sand.u32 $0x1FFFFFF0, s23;
	(v2sf) =	vpush v0, $0xF;
	s4 =	rddreg [dreg:$0x1a]  }
0x1b1: {  	[hbm:s1], [sflag:s17] =	dma.local [hbm:s4], $0x10  }
0x1b2: {  	s23 =	sadd.s32 s3, s23;
	(v2sf) =	vpush v0, $0x8;
	s1 =	rddreg [dreg:$0x8]  }
0x1b3: {  	[hbm:s1], [sflag:s17] =	dma.local [hbm:s23], $0x10  }
0x1b4: {  	s15 =	sadd.s32 s3, s15;
	(v2sf) =	vpush v0, $0x7;
	s1 =	rddreg [dreg:$0x7]  }
0x1b5: {  	[hbm:s1], [sflag:s17] =	dma.local [hbm:s15], $0x10  }
0x1b6: {  	s2 =	sand.u32 $0x1FFFFFF0, s2;
	s30 =	sadd.s32 s3, s30;
	(v2sf) =	vpush v0, $0x2;
	s1 =	rddreg [dreg:$0x6]  }
0x1b7: {  	[hbm:s1], [sflag:s17] =	dma.local [hbm:s30], $0x10  }
0x1b8: {  	s2 =	sadd.s32 s3, s2;
	(v2sf) =	vpush v0, $0x3;
	s1 =	rddreg [dreg:$0x5]  }
0x1b9: {  	[hbm:s1], [sflag:s17] =	dma.local [hbm:s2], $0x10  }
0x1ba: {  	s26 =	sadd.s32 s3, s26;
	(v2sf) =	vpush v0, $0x0;
	s1 =	rddreg [dreg:$0x4]  }
0x1bb: {  	[hbm:s1], [sflag:s17] =	dma.local [hbm:s26], $0x10  }
0x1bc: {  	s19 =	sadd.s32 s3, s19;
	(v2sf) =	vpush v0, $0x1;
	s1 =	rddreg [dreg:$0x3]  }
0x1bd: {  	[hbm:s1], [sflag:s17] =	dma.local [hbm:s19], $0x10  }
0x1be: {  	s1 =	rddreg [dreg:$0x1d]  }
0x1bf: {  	s18 =	sadd.s32 $0xFFFFFFC0, s29;
	s16 =	rddreg [dreg:$0x1e]  }
0x1c0: {  	[hbm:s1], [sflag:s17] =	dma.local [hbm:s16], $0x10  }
0x1c1: {  	s19 =	sadd.s32 $0xFFFFFFD0, s29;
	[dreg:$0x6] =	wrdreg s18  }
0x1c2: {  	s20 =	sadd.s32 $0xFFFFFFE0, s29;
	[dreg:$0x5] =	wrdreg s19  }
0x1c3: {  	s21 =	sadd.s32 $0xFFFFFFA0, s29;
	[dreg:$0x4] =	wrdreg s20  }
0x1c4: {  	s22 =	sadd.s32 $0xFFFFFFB0, s29;
	[dreg:$0x8] =	wrdreg s21  }
0x1c5: {  	s5 =	sadd.s32 $0x20, s12;
	[dreg:$0x7] =	wrdreg s22  }
0x1c6: {  	s23 =	sadd.s32 $0xFFFFFF70, s29;
	[dreg:$0x9] =	wrdreg s5  }
0x1c7: {  	s25 =	sadd.s32 $0x2, s25;
	s24 =	sadd.s32 $0xFFFFFF80, s29;
	[dreg:$0xc] =	wrdreg s23  }
0x1c8: {  	p0 =	slt.u32 s25, $0x1D;
	s26 =	sadd.s32 $0xFFFFFF90, s29;
	[dreg:$0xb] =	wrdreg s24  }
.Ltmp1:
0x1c9: {  	s28 =	sadd.s32 $0xFFFFFF40, s29;
	[dreg:$0xa] =	wrdreg s26;
	(v2sf) =	vpush v0, $0x4;
	(pc) =	sbr.rel @p0 .LBB2_4-.Ltmp1, $4  }
0x1ca: {  	s30 =	sadd.s32 $0xFFFFFF50, s29;
	[dreg:$0xf] =	wrdreg s28;
	(v2sf) =	vpush v0, $0x5  }
0x1cb: {  	s31 =	sadd.s32 $0xFFFFFF60, s29;
	[dreg:$0xe] =	wrdreg s30;
	(v2sf) =	vpush v0, $0x6  }
0x1cc: {  	s17 =	sadd.s32 $0xFFFFFFF0, s29;
	[dreg:$0xd] =	wrdreg s31;
	(v2sf) =	vpush v0, $0xA  }
0x1cd: {  	s6 =	smov.u32 s29;
	[dreg:$0x3] =	wrdreg s17;
	v1 =	vld [tilespmem:s5+$0xFFFFFFF0];
	(v2sf) =	vpush v0, $0xB  }
0x1ce: {  	_ = 	snop  }
0x1cf: {  	(v2sf) =	vpush v0, $0xC  }
0x1d0: {  	(v2sf) =	vpush v0, $0x9  }
0x1d1: {  	(v2sf) =	vpush v0, $0xD  }
0x1d2: {  	s1 =	spop (v2sf);
	(v2sf) =	vpush v0, $0xE;
	v1 =	vshll.u32 v1, $0x4  }
0x1d3: {  	s28 =	spop (v2sf);
	(v2sf) =	vpush v1, $0x2  }
0x1d4: {  	s30 =	spop (v2sf);
	(v2sf) =	vpush v1, $0xC  }
0x1d5: {  	s18 =	spop (v2sf);
	(v2sf) =	vpush v1, $0x7  }
0x1d6: {  	s9 =	spop (v2sf);
	(v2sf) =	vpush v1, $0x5  }
0x1d7: {  	s12 =	spop (v2sf);
	(v2sf) =	vpush v1, $0x1  }
0x1d8: {  	s14 =	spop (v2sf);
	(v2sf) =	vpush v1, $0x8  }
0x1d9: {  	s20 =	spop (v2sf);
	(v2sf) =	vpush v1, $0xE  }
0x1da: {  	s19 =	spop (v2sf);
	(v2sf) =	vpush v1, $0x4  }
0x1db: {  	s5 =	spop (v2sf);
	(v2sf) =	vpush v1, $0x3  }
0x1dc: {  	s7 =	spop (v2sf);
	(v2sf) =	vpush v1, $0x0  }
0x1dd: {  	s17 =	spop (v2sf);
	(v2sf) =	vpush v1, $0x9  }
0x1de: {  	s8 =	spop (v2sf);
	(v2sf) =	vpush v1, $0xB  }
0x1df: {  	s11 =	spop (v2sf);
	(v2sf) =	vpush v1, $0xA  }
0x1e0: {  	s10 =	spop (v2sf)  }
0x1e1: {  	(v2sf) =	vpush v1, $0x6;
	s31 =	spop (v2sf)  }
0x1e2: {  	(v2sf) =	vpush v1, $0xD;
	s21 =	spop (v2sf)  }
0x1e3: {  	s15 =	spop (v2sf)  }
0x1e4: {  	s22 =	spop (v2sf)  }
0x1e5: {  	(v2sf) =	vpush v1, $0xF;
	s23 =	spop (v2sf)  }
0x1e6: {  	s24 =	spop (v2sf)  }
0x1e7: {  	s25 =	spop (v2sf)  }
0x1e8: {  	s13 =	spop (v2sf)  }
0x1e9: {  	s26 =	spop (v2sf)  }
0x1ea: {  	[smem:$0x7DE] =	sst s28;
	s28 =	spop (v2sf)  }
0x1eb: {  	[smem:$0x7DD] =	sst s30;
	s30 =	spop (v2sf)  }
0x1ec: {  	s16 =	sadd.s32 $0x200, s29;
	[smem:$0x7E0] =	sst s31;
	s31 =	spop (v2sf)  }
0x1ed: {  	[smem:$0x7DF] =	sst s1;
	s2 =	sand.u32 $0x1FFFFFF0, s30;
	s30 =	spop (v2sf)  }
0x1ee: {  	s4 =	sadd.s32 $0xFFFFFE10, s16;
	s29 =	sadd.s32 s3, s2;
	s2 =	spop (v2sf)  }
0x1ef: {  	[hbm:s4], [sflag:s0] =	dma.local [hbm:s29], $0x10  }
0x1f0: {  	s4 =	sand.u32 $0x1FFFFFF0, s24;
	s24 =	spop (v2sf)  }
0x1f1: {  	s29 =	sadd.s32 $0xFFFFFE20, s16;
	s1 =	sadd.s32 s3, s4;
	s4 =	spop (v2sf)  }
0x1f2: {  	[hbm:s29], [sflag:s0] =	dma.local [hbm:s1], $0x10  }
0x1f3: {  	s29 =	sand.u32 $0x1FFFFFF0, s21  }
0x1f4: {  	s21 =	sadd.s32 $0xFFFFFE30, s16;
	s1 =	sadd.s32 s3, s29;
	s29 =	spop (v2sf)  }
0x1f5: {  	[hbm:s21], [sflag:s0] =	dma.local [hbm:s1], $0x10  }
0x1f6: {  	s21 =	sand.u32 $0x1FFFFFF0, s28  }
0x1f7: {  	s26 =	sand.u32 $0x1FFFFFF0, s26;
	s28 =	sadd.s32 $0xFFFFFE40, s16;
	s1 =	sadd.s32 s3, s21  }
0x1f8: {  	[hbm:s28], [sflag:s0] =	dma.local [hbm:s1], $0x10  }
0x1f9: {  	s1 =	sadd.s32 s3, s26;
	s28 =	sadd.s32 $0xFFFFFE50, s16;
	s26 =	sand.u32 $0x1FFFFFF0, s12  }
0x1fa: {  	[hbm:s28], [sflag:s0] =	dma.local [hbm:s1], $0x10  }
0x1fb: {  	s21 =	sand.u32 $0x1FFFFFF0, s23;
	s1 =	sadd.s32 s3, s26;
	s28 =	sadd.s32 $0xFFFFFF10, s6  }
0x1fc: {  	[hbm:s28], [sflag:s0] =	dma.local [hbm:s1], $0x10  }
0x1fd: {  	s23 =	sadd.s32 $0xFFFFFE60, s16;
	s26 =	sand.u32 $0x1FFFFFF0, s14;
	s1 =	sadd.s32 s3, s21  }
0x1fe: {  	[hbm:s23], [sflag:s0] =	dma.local [hbm:s1], $0x10  }
0x1ff: {  	s12 =	sand.u32 $0x1FFFFFF0, s24;
	s28 =	sadd.s32 $0xFFFFFF20, s6;
	s1 =	sadd.s32 s3, s26  }
0x200: {  	[hbm:s28], [sflag:s0] =	dma.local [hbm:s1], $0x10  }
0x201: {  	s14 =	sadd.s32 $0xFFFFFE70, s16;
	s21 =	sand.u32 $0x1FFFFFF0, s22;
	s1 =	sadd.s32 s3, s12  }
0x202: {  	[hbm:s14], [sflag:s0] =	dma.local [hbm:s1], $0x10  }
0x203: {  	s22 =	sadd.s32 $0xFFFFFE80, s16;
	s23 =	sand.u32 $0x1FFFFFF0, s25;
	s1 =	sadd.s32 s3, s21  }
0x204: {  	[hbm:s22], [sflag:s0] =	dma.local [hbm:s1], $0x10  }
0x205: {  	s24 =	sadd.s32 $0xFFFFFE90, s16;
	s25 =	sand.u32 $0x1FFFFFF0, s31;
	s1 =	sadd.s32 s3, s23  }
0x206: {  	[hbm:s24], [sflag:s0] =	dma.local [hbm:s1], $0x10  }
0x207: {  	s26 =	sadd.s32 $0xFFFFFEA0, s16;
	s28 =	sand.u32 $0x1FFFFFF0, s2;
	s1 =	sadd.s32 s3, s25  }
0x208: {  	[hbm:s26], [sflag:s0] =	dma.local [hbm:s1], $0x10  }
0x209: {  	s31 =	sadd.s32 $0xFFFFFEB0, s16;
	s12 =	sand.u32 $0x1FFFFFF0, s30;
	s1 =	sadd.s32 s3, s28  }
0x20a: {  	[hbm:s31], [sflag:s0] =	dma.local [hbm:s1], $0x10  }
0x20b: {  	s14 =	sadd.s32 $0xFFFFFEC0, s16;
	s21 =	sand.u32 $0x1FFFFFF0, s15;
	s1 =	sadd.s32 s3, s12  }
0x20c: {  	[hbm:s14], [sflag:s0] =	dma.local [hbm:s1], $0x10  }
0x20d: {  	s22 =	sadd.s32 $0xFFFFFED0, s16;
	s23 =	sand.u32 $0x1FFFFFF0, s4;
	s1 =	sadd.s32 s3, s21  }
0x20e: {  	[hbm:s22], [sflag:s0] =	dma.local [hbm:s1], $0x10  }
0x20f: {  	s24 =	sadd.s32 $0xFFFFFEE0, s16;
	s25 =	sand.u32 $0x1FFFFFF0, s13;
	s1 =	sadd.s32 s3, s23  }
0x210: {  	[hbm:s24], [sflag:s0] =	dma.local [hbm:s1], $0x10  }
0x211: {  	s26 =	sadd.s32 $0xFFFFFEF0, s16;
	s28 =	sand.u32 $0x1FFFFFF0, s29;
	s1 =	sadd.s32 s3, s25  }
0x212: {  	[hbm:s26], [sflag:s0] =	dma.local [hbm:s1], $0x10  }
0x213: {  	s30 =	sand.u32 $0x1FFFFFF0, s18;
	s29 =	sadd.s32 $0xFFFFFF00, s16;
	s1 =	sadd.s32 s3, s28  }
0x214: {  	[hbm:s29], [sflag:s0] =	dma.local [hbm:s1], $0x10  }
0x215: {  	s31 =	sadd.s32 $0xFFFFFF30, s6;
	s1 =	sadd.s32 s3, s30;
	s2 =	rddreg [dreg:$0x9]  }
0x216: {  	v62 =	vld [tilespmem:s2+$0x0];
	[hbm:s31], [sflag:s0] =	dma.local [hbm:s1], $0x10  }
0x217: {  	s2 =	sand.u32 $0x1FFFFFF0, s9  }
0x218: {  	s4 =	sand.u32 $0x1FFFFFF0, s20;
	s1 =	sadd.s32 s3, s2;
	s2 =	rddreg [dreg:$0xf]  }
0x219: {  	[hbm:s2], [sflag:s0] =	dma.local [hbm:s1], $0x10  }
0x21a: {  	s9 =	sand.u32 $0x1FFFFFF0, s19;
	s1 =	sadd.s32 s3, s4;
	s2 =	rddreg [dreg:$0xe]  }
0x21b: {  	[hbm:s2], [sflag:s0] =	dma.local [hbm:s1], $0x10  }
0x21c: {  	s12 =	sand.u32 $0x1FFFFFF0, s5;
	s1 =	sadd.s32 s3, s9;
	s2 =	rddreg [dreg:$0xd]  }
0x21d: {  	[hbm:s2], [sflag:s0] =	dma.local [hbm:s1], $0x10  }
0x21e: {  	s1 =	sadd.s32 s3, s12;
	s2 =	rddreg [dreg:$0xc]  }
0x21f: {  	[hbm:s2], [sflag:s0] =	dma.local [hbm:s1], $0x10  }
0x220: {  	s1 =	sld [smem:$0x7DD];
	_ =	sdelay $0x2  }
0x221: {  	s1 =	sand.u32 $0x1FFFFFF0, s1  }
0x222: {  	s2 =	rddreg [dreg:$0xb];
	s1 =	sadd.s32 s3, s1  }
0x223: {  	[hbm:s2], [sflag:s0] =	dma.local [hbm:s1], $0x10  }
0x224: {  	s1 =	sld [smem:$0x7DE];
	_ =	sdelay $0x2  }
0x225: {  	v0 =	vshll.u32 v62, $0x4;
	s1 =	sand.u32 $0x1FFFFFF0, s1  }
0x226: {  	s13 =	sand.u32 $0x1FFFFFF0, s11;
	(v2sf) =	vpush v0, $0xF;
	s14 =	rddreg [dreg:$0xa];
	s1 =	sadd.s32 s3, s1  }
0x227: {  	[hbm:s14], [sflag:s0] =	dma.local [hbm:s1], $0x10  }
0x228: {  	s15 =	sand.u32 $0x1FFFFFF0, s7;
	s2 =	sadd.s32 s3, s13;
	(v2sf) =	vpush v0, $0x8;
	s4 =	rddreg [dreg:$0x8]  }
0x229: {  	[hbm:s4], [sflag:s0] =	dma.local [hbm:s2], $0x10  }
0x22a: {  	s18 =	sand.u32 $0x1FFFFFF0, s17;
	s1 =	sadd.s32 s3, s15;
	(v2sf) =	vpush v0, $0x7;
	s4 =	rddreg [dreg:$0x7]  }
0x22b: {  	[hbm:s4], [sflag:s0] =	dma.local [hbm:s1], $0x10  }
0x22c: {  	s19 =	sand.u32 $0x1FFFFFF0, s8;
	s2 =	sadd.s32 s3, s18;
	(v2sf) =	vpush v0, $0x2;
	s4 =	rddreg [dreg:$0x6]  }
0x22d: {  	[hbm:s4], [sflag:s0] =	dma.local [hbm:s2], $0x10  }
0x22e: {  	s1 =	sadd.s32 s3, s19;
	(v2sf) =	vpush v0, $0x3;
	s4 =	rddreg [dreg:$0x5]  }
0x22f: {  	[hbm:s4], [sflag:s0] =	dma.local [hbm:s1], $0x10  }
0x230: {  	s1 =	sld [smem:$0x7DF]  }
0x231: {  	s20 =	sand.u32 $0x1FFFFFF0, s10;
	s4 =	sld [smem:$0x7E0]  }
0x232: {  	s2 =	sadd.s32 s3, s20;
	(v2sf) =	vpush v0, $0x0;
	s21 =	rddreg [dreg:$0x4]  }
0x233: {  	[hbm:s21], [sflag:s0] =	dma.local [hbm:s2], $0x10  }
0x234: {  	s1 =	sand.u32 $0x1FFFFFF0, s1;
	s4 =	sand.u32 $0x1FFFFFF0, s4  }
0x235: {  	(v2sf) =	vpush v0, $0x1;
	s23 =	rddreg [dreg:$0x3];
	s1 =	sadd.s32 s3, s1;
	s22 =	sadd.s32 s3, s4  }
0x236: {  	[hbm:s23], [sflag:s0] =	dma.local [hbm:s22], $0x10  }
0x237: {  	[hbm:s6], [sflag:s0] =	dma.local [hbm:s1], $0x10  }
0x238: {  	(v2sf) =	vpush v0, $0x4  }
0x239: {  	(v2sf) =	vpush v0, $0x5  }
0x23a: {  	(v2sf) =	vpush v0, $0x6  }
0x23b: {  	(v2sf) =	vpush v0, $0xA  }
0x23c: {  	(v2sf) =	vpush v0, $0xB  }
0x23d: {  	(v2sf) =	vpush v0, $0xC  }
0x23e: {  	(v2sf) =	vpush v0, $0x9  }
0x23f: {  	(v2sf) =	vpush v0, $0xD  }
0x240: {  	s1 =	spop (v2sf);
	(v2sf) =	vpush v0, $0xE  }
0x241: {  	s2 =	spop (v2sf)  }
0x242: {  	s4 =	spop (v2sf)  }
0x243: {  	s24 =	spop (v2sf)  }
0x244: {  	s6 =	spop (v2sf)  }
0x245: {  	s25 =	spop (v2sf)  }
0x246: {  	s26 =	spop (v2sf)  }
0x247: {  	s28 =	spop (v2sf)  }
0x248: {  	s29 =	spop (v2sf)  }
0x249: {  	s11 =	sadd.s32 $0xFFFFFFB0, s16;
	s31 =	sadd.s32 $0xFFFFFF10, s16;
	s30 =	spop (v2sf)  }
0x24a: {  	s21 =	sadd.s32 $0xFFFFFF20, s16;
	s22 =	sadd.s32 $0xFFFFFF30, s16;
	s12 =	spop (v2sf)  }
0x24b: {  	s2 =	sand.u32 $0x1FFFFFF0, s2;
	s4 =	sand.u32 $0x1FFFFFF0, s4;
	s13 =	spop (v2sf)  }
0x24c: {  	s2 =	sadd.s32 s3, s2;
	s4 =	sadd.s32 s3, s4;
	s14 =	spop (v2sf)  }
0x24d: {  	s5 =	sand.u32 $0x1FFFFFF0, s24;
	s24 =	sadd.s32 $0xFFFFFF40, s16;
	s15 =	spop (v2sf)  }
0x24e: {  	s5 =	sadd.s32 s3, s5;
	s7 =	sand.u32 $0x1FFFFFF0, s25;
	s17 =	spop (v2sf)  }
0x24f: {  	s7 =	sadd.s32 s3, s7;
	s20 =	sand.u32 $0x1FFFFFF0, s26;
	s19 =	spop (v2sf)  }
0x250: {  	[hbm:s31], [sflag:s0] =	dma.local [hbm:s7], $0x10  }
0x251: {  	s23 =	sand.u32 $0x1FFFFFF0, s6;
	s6 =	sadd.s32 $0xFFFFFF80, s16;
	s7 =	sadd.s32 s3, s20  }
0x252: {  	[hbm:s21], [sflag:s0] =	dma.local [hbm:s7], $0x10  }
0x253: {  	[hbm:s22], [sflag:s0] =	dma.local [hbm:s5], $0x10  }
0x254: {  	s26 =	sadd.s32 $0xFFFFFF50, s16;
	s25 =	sand.u32 $0x1FFFFFF0, s28;
	s5 =	sadd.s32 s3, s23  }
0x255: {  	[hbm:s24], [sflag:s0] =	dma.local [hbm:s5], $0x10  }
0x256: {  	s28 =	sand.u32 $0x1FFFFFF0, s29;
	s29 =	sadd.s32 $0xFFFFFF60, s16;
	s5 =	sadd.s32 s3, s25  }
0x257: {  	[hbm:s26], [sflag:s0] =	dma.local [hbm:s5], $0x10  }
0x258: {  	s30 =	sand.u32 $0x1FFFFFF0, s30;
	s8 =	sand.u32 $0x1FFFFFF0, s15;
	s5 =	sadd.s32 s3, s28  }
0x259: {  	[hbm:s29], [sflag:s0] =	dma.local [hbm:s5], $0x10  }
0x25a: {  	s31 =	sadd.s32 $0xFFFFFF70, s16;
	s7 =	sadd.s32 $0xFFFFFF90, s16;
	s5 =	sadd.s32 s3, s30  }
0x25b: {  	[hbm:s31], [sflag:s0] =	dma.local [hbm:s5], $0x10  }
0x25c: {  	[hbm:s6], [sflag:s0] =	dma.local [hbm:s4], $0x10  }
0x25d: {  	[hbm:s7], [sflag:s0] =	dma.local [hbm:s2], $0x10  }
0x25e: {  	s9 =	sadd.s32 $0xFFFFFFA0, s16;
	s10 =	sand.u32 $0x1FFFFFF0, s12;
	s2 =	sadd.s32 s3, s8  }
0x25f: {  	[hbm:s9], [sflag:s0] =	dma.local [hbm:s2], $0x10  }
0x260: {  	s18 =	sadd.s32 $0xFFFFFFD0, s16;
	s12 =	sand.u32 $0x1FFFFFF0, s13;
	s2 =	sadd.s32 s3, s10  }
0x261: {  	[hbm:s11], [sflag:s0] =	dma.local [hbm:s2], $0x10  }
0x262: {  	s13 =	sadd.s32 $0xFFFFFFC0, s16;
	s15 =	sand.u32 $0x1FFFFFF0, s14;
	s2 =	sadd.s32 s3, s12  }
0x263: {  	[hbm:s13], [sflag:s0] =	dma.local [hbm:s2], $0x10  }
0x264: {  	s1 =	sand.u32 $0x1FFFFFF0, s1;
	s20 =	sand.u32 $0x1FFFFFF0, s17;
	s2 =	sadd.s32 s3, s15  }
0x265: {  	[hbm:s18], [sflag:s0] =	dma.local [hbm:s2], $0x10  }
0x266: {  	s21 =	sadd.s32 $0xFFFFFFE0, s16;
	s22 =	sand.u32 $0x1FFFFFF0, s19;
	s2 =	sadd.s32 s3, s20  }
0x267: {  	[hbm:s21], [sflag:s0] =	dma.local [hbm:s2], $0x10  }
0x268: {  	s1 =	sadd.s32 s3, s1;
	s23 =	sadd.s32 $0xFFFFFFF0, s16;
	s2 =	sadd.s32 s3, s22  }
0x269: {  	[hbm:s23], [sflag:s0] =	dma.local [hbm:s2], $0x10  }
0x26a: {  	[hbm:s16], [sflag:s0] =	dma.local [hbm:s1], $0x10  }
0x26b: {  	v63 =	vld [tilespmem:$0x1F0];
	_ =	sdelay $0x4  }
0x26c: {  	v0 =	vshll.u32 v63, $0x4  }
0x26d: {  	(v2sf) =	vpush v0, $0x0;
	_ =	sdelay $0xe  }
0x26e: {  	s24 =	sld [smem:$0x7EB];
	s1 =	spop (v2sf)  }
0x26f: {  	s1 =	sand.u32 $0x1FFFFFF0, s1  }
0x270: {  	s1 =	sadd.s32 s3, s1  }
0x271: {  	[hbm:s24], [sflag:s0] =	dma.local [hbm:s1], $0x10  }
0x272: {  	(v2sf) =	vpush v0, $0x1;
	_ =	sdelay $0xe  }
0x273: {  	s2 =	sld [smem:$0x7EC];
	s1 =	spop (v2sf)  }
0x274: {  	s1 =	sand.u32 $0x1FFFFFF0, s1  }
0x275: {  	s1 =	sadd.s32 s3, s1  }
0x276: {  	[hbm:s2], [sflag:s0] =	dma.local [hbm:s1], $0x10  }
0x277: {  	(v2sf) =	vpush v0, $0x2;
	_ =	sdelay $0xe  }
0x278: {  	s2 =	sld [smem:$0x7ED];
	s1 =	spop (v2sf)  }
0x279: {  	s1 =	sand.u32 $0x1FFFFFF0, s1  }
0x27a: {  	s1 =	sadd.s32 s3, s1  }
0x27b: {  	[hbm:s2], [sflag:s0] =	dma.local [hbm:s1], $0x10  }
0x27c: {  	(v2sf) =	vpush v0, $0x3;
	_ =	sdelay $0xe  }
0x27d: {  	s2 =	sld [smem:$0x7EE];
	s1 =	spop (v2sf)  }
0x27e: {  	s1 =	sand.u32 $0x1FFFFFF0, s1  }
0x27f: {  	s1 =	sadd.s32 s3, s1  }
0x280: {  	[hbm:s2], [sflag:s0] =	dma.local [hbm:s1], $0x10  }
0x281: {  	(v2sf) =	vpush v0, $0x4;
	_ =	sdelay $0xe  }
0x282: {  	s2 =	sld [smem:$0x7EF];
	s1 =	spop (v2sf)  }
0x283: {  	s1 =	sand.u32 $0x1FFFFFF0, s1  }
0x284: {  	s1 =	sadd.s32 s3, s1  }
0x285: {  	[hbm:s2], [sflag:s0] =	dma.local [hbm:s1], $0x10  }
0x286: {  	(v2sf) =	vpush v0, $0x5;
	_ =	sdelay $0xe  }
0x287: {  	s2 =	sld [smem:$0x7F0];
	s1 =	spop (v2sf)  }
0x288: {  	s1 =	sand.u32 $0x1FFFFFF0, s1  }
0x289: {  	s1 =	sadd.s32 s3, s1  }
0x28a: {  	[hbm:s2], [sflag:s0] =	dma.local [hbm:s1], $0x10  }
0x28b: {  	(v2sf) =	vpush v0, $0x6;
	_ =	sdelay $0xe  }
0x28c: {  	s2 =	sld [smem:$0x7F1];
	s1 =	spop (v2sf)  }
0x28d: {  	s1 =	sand.u32 $0x1FFFFFF0, s1  }
0x28e: {  	s1 =	sadd.s32 s3, s1  }
0x28f: {  	[hbm:s2], [sflag:s0] =	dma.local [hbm:s1], $0x10  }
0x290: {  	(v2sf) =	vpush v0, $0x7;
	_ =	sdelay $0xe  }
0x291: {  	s2 =	sld [smem:$0x7F2];
	s1 =	spop (v2sf)  }
0x292: {  	s1 =	sand.u32 $0x1FFFFFF0, s1  }
0x293: {  	s1 =	sadd.s32 s3, s1  }
0x294: {  	[hbm:s2], [sflag:s0] =	dma.local [hbm:s1], $0x10  }
0x295: {  	(v2sf) =	vpush v0, $0x8;
	_ =	sdelay $0xe  }
0x296: {  	s2 =	sld [smem:$0x7F3];
	s1 =	spop (v2sf)  }
0x297: {  	s1 =	sand.u32 $0x1FFFFFF0, s1  }
0x298: {  	s1 =	sadd.s32 s3, s1  }
0x299: {  	[hbm:s2], [sflag:s0] =	dma.local [hbm:s1], $0x10  }
0x29a: {  	(v2sf) =	vpush v0, $0x9;
	_ =	sdelay $0xe  }
0x29b: {  	s2 =	sld [smem:$0x7F4];
	s1 =	spop (v2sf)  }
0x29c: {  	s1 =	sand.u32 $0x1FFFFFF0, s1  }
0x29d: {  	s1 =	sadd.s32 s3, s1  }
0x29e: {  	[hbm:s2], [sflag:s0] =	dma.local [hbm:s1], $0x10  }
0x29f: {  	(v2sf) =	vpush v0, $0xA;
	_ =	sdelay $0xe  }
0x2a0: {  	s2 =	sld [smem:$0x7F5];
	s1 =	spop (v2sf)  }
0x2a1: {  	s1 =	sand.u32 $0x1FFFFFF0, s1  }
0x2a2: {  	s1 =	sadd.s32 s3, s1  }
0x2a3: {  	[hbm:s2], [sflag:s0] =	dma.local [hbm:s1], $0x10  }
0x2a4: {  	(v2sf) =	vpush v0, $0xB;
	_ =	sdelay $0xe  }
0x2a5: {  	s2 =	sld [smem:$0x7F6];
	s1 =	spop (v2sf)  }
0x2a6: {  	s1 =	sand.u32 $0x1FFFFFF0, s1  }
0x2a7: {  	s1 =	sadd.s32 s3, s1  }
0x2a8: {  	[hbm:s2], [sflag:s0] =	dma.local [hbm:s1], $0x10  }
0x2a9: {  	(v2sf) =	vpush v0, $0xC;
	_ =	sdelay $0xe  }
0x2aa: {  	s2 =	sld [smem:$0x7F7];
	s1 =	spop (v2sf)  }
0x2ab: {  	s1 =	sand.u32 $0x1FFFFFF0, s1  }
0x2ac: {  	s1 =	sadd.s32 s3, s1  }
0x2ad: {  	[hbm:s2], [sflag:s0] =	dma.local [hbm:s1], $0x10  }
0x2ae: {  	(v2sf) =	vpush v0, $0xD;
	_ =	sdelay $0xe  }
0x2af: {  	s2 =	sld [smem:$0x7F8];
	s1 =	spop (v2sf)  }
0x2b0: {  	s1 =	sand.u32 $0x1FFFFFF0, s1  }
0x2b1: {  	s1 =	sadd.s32 s3, s1  }
0x2b2: {  	[hbm:s2], [sflag:s0] =	dma.local [hbm:s1], $0x10  }
0x2b3: {  	(v2sf) =	vpush v0, $0xE;
	_ =	sdelay $0xe  }
0x2b4: {  	s2 =	sld [smem:$0x7F9];
	s1 =	spop (v2sf)  }
0x2b5: {  	s1 =	sand.u32 $0x1FFFFFF0, s1  }
0x2b6: {  	s1 =	sadd.s32 s3, s1  }
0x2b7: {  	[hbm:s2], [sflag:s0] =	dma.local [hbm:s1], $0x10  }
0x2b8: {  	(v2sf) =	vpush v0, $0xF;
	_ =	sdelay $0xe  }
0x2b9: {  	s2 =	sld [smem:$0x7FB];
	s1 =	spop (v2sf)  }
0x2ba: {  	s1 =	sand.u32 $0x1FFFFFF0, s1  }
0x2bb: {  	s25 =	simm.s32 $0x1;
	s1 =	sadd.s32 s3, s1  }
0x2bc: {  	[hbm:s2], [sflag:s0] =	dma.local [hbm:s1], $0x10  }
0x2bd: {  	_ =	swait.ge [sflag:s25], $0xB800  }
0x2be: {  	s26 =	sld [smem:$0x7FA]  }
0x2bf: {  	s28 =	simm.s32 $0x200;
	[sflag:s25] =	ssyncset.done $0x0  }
0x2c0: {  	s2 =	simm.s32 $0x0;
	s1 =	simm.s32 $0x3;
	[sflag:s25] =	ssyncadd.s32 $0xFFFF4800  }
0x2c1: {  	[hbm4b:s26+s2] =	stream.linear.scatter [tilespmem:s28], [sflag:$0x3], $0xB800, $0x38;
	[tilespmem:$0x10200] =	vst v63  }
0x2c2: {  	_ =	swait.ge [sflag:s1], $0xB800  }
0x2c3: {  	[sflag:s1] =	ssyncset.done $0x0  }
0x2c4: {  	s29 =	simm.s32 $0x2;
	[sflag:s1] =	ssyncadd.s32 $0xFFFF4800  }
0x2c5: {  	_ =	swait.ge [sflag:s29], $0x900  }
0x2c6: {  	s30 =	sld [smem:$0x7E9]  }
0x2c7: {  	s31 =	sld [smem:$0x7FC];
	_ =	sdelay $0x1  }
0x2c8: {  	s5 =	sadd.s32 $0x1, s30  }
0x2c9: {  	p0 =	sne.s32 s5, s31  }
.Ltmp2:
0x2ca: {  	_ = 	snop;
	(pc) =	sbr.rel @p0 .LBB2_1-.Ltmp2, $3  }
0x2cb: {  	_ =	sdelay $0x1  }
0x2cc: {  	[sflag:s29] =	ssyncset.done $0x0  }
0x2cd: {  	[sflag:s29] =	ssyncadd.s32 $0xFFFFF700  }
0x2ce: {  	_ =	sfence.sel $0x180000  }
0x2cf: {  	[bflag:$0x0] =	sbarrier.arrive $0xFFFF  }
0x2d0: {  	_ =	strace $0x90000047  }
0x2d1: {  	s0 =	stileid.u32;
	[bflag:$0x2] =	sbarrier.arrive $0xFFFF  }
0x2d2: {  	p0 =	sne.s32 s0, $0x0;
	s0 =	rddreg [dreg:$0x2]  }
0x2d3: {  	s0 =	sadd.s32 @!p0 $0x100000, s0  }
0x2d4: {  	[sflag:s0] =	ssyncadd.tile.s32 @!p0 $0x1;
	_ =	shalt  }
.Lfunc_end2:
_tile_overlayer_lowered:
.L_overlay_start_2:
0x2d5: {  	(tag) =	ssettag $0x2  }
0x2d6: {  	s0 =	rddreg [dreg:$0x0];
	s2 =	stileid.u32  }
0x2d7: {  	s1 =	rddreg [dreg:$0x1];
	p0 =	sne.s32 s2, $0x0  }
0x2d8: {  	s3 =	rddreg [dreg:$0x2];
	[bflag:$0x3] =	sbarrier.arrive $0xFFFF;
	s2 =	simm.s32 @!p0 $0x1C03  }
0x2d9: {  	[timem:s3], [sflag:s2] =	dma.local @!p0 [hbm:s0], s1  }
0x2da: {  	s0 =	simm.s32 @!p0 $0x3  }
0x2db: {  	_ =	swait.ge @!p0 [sflag:s0], s1  }
0x2dc: {  	s1 =	ssub.s32 @!p0 $0x0, s1;
	[sflag:s0] =	ssyncset.done @!p0 $0x0  }
0x2dd: {  	[sflag:s0] =	ssyncadd.s32 @!p0 s1  }
0x2de: {  	[bflag:$0x3] =	sbarrier.arrive $0xFFFF  }
0x2df: {  	_ =	shalt  }

</sc_bundles>
